<compile_context>
chip_gen: v7x
topology: tpu7x:2x2x1
jax: 0.10.2.dev20260603
libtpu: 0.0.44.dev20260713+nightly
codegen_flags: <defaults>
</compile_context>

<pallas_src>
import dataclasses
import functools

import jax
import jax.numpy as jnp
from jax import lax
from jax.experimental import pallas as pl
from jax.experimental.pallas import tpu as pltpu
from jax.experimental.pallas import tpu_sc as plsc

_V = 1000
_B = 16384
_L = 50

_NC = 2
_NS = 16
_NW = _NC * _NS

_BPW = _B // _NW
_G = 4
_CHUNK = _G * _L * _L
_ITERS = _CHUNK // 16
_STEPS = _BPW // _G

_CP = pltpu.CompilerParams()
if "needs_layout_passes" in pltpu.CompilerParams.__dataclass_fields__:
    _CP = dataclasses.replace(_CP, needs_layout_passes=False)


@functools.partial(
    pl.kernel,
    out_type=jax.ShapeDtypeStruct((_B, _L, _L), jnp.float32),
    mesh=plsc.VectorSubcoreMesh(core_axis_name="c", subcore_axis_name="s"),
    compiler_params=_CP,
    scratch_types=[
        pltpu.VMEM((_G * _L,), jnp.int32),
        pltpu.VMEM((_CHUNK,), jnp.int32),
        pltpu.VMEM((_CHUNK,), jnp.int32),
        pltpu.VMEM((_CHUNK,), jnp.int32),
        pltpu.VMEM((_CHUNK + 16,), jnp.float32),
        pltpu.VMEM((_CHUNK + 16,), jnp.float32),
        pltpu.VMEM((_L, _L), jnp.float32),
        pltpu.VMEM((_L, _L), jnp.float32),
        pltpu.VMEM_SHARED((_V * _V,), jnp.float32),
        pltpu.SemaphoreType.DMA,
        pltpu.SemaphoreType.DMA,
        pltpu.SemaphoreType.DMA,
        pltpu.SemaphoreType.DMA,
        pltpu.SemaphoreType.DMA,
    ],
)
def _sc_kmat(wflat_hbm, idx_hbm, bt_hbm, out_hbm,
             idx_v, bt_v, fbuf0, fbuf1, vals0, vals1, obuf0, obuf1,
             w_sh, sw, sg0, sg1, so0, so1):
    sid = lax.axis_index("s")
    wid = sid * _NC + lax.axis_index("c")
    ibase = wid * _BPW * _L
    bbase = wid * _BPW

    @pl.when(sid == 0)
    def _():
        pltpu.async_copy(wflat_hbm, w_sh, sw).wait()

    pltpu.sync_copy(bt_hbm, bt_v)
    plsc.subcore_barrier()

    iota16 = lax.iota(jnp.int32, 16)

    def build(step, fbuf):
        pltpu.sync_copy(idx_hbm.at[pl.ds(ibase + step * (_G * _L), _G * _L)],
                        idx_v)

        @pl.loop(0, _ITERS)
        def _(k):
            u = k * 16
            t = bt_v[pl.ds(u, 16)]
            r = plsc.load_gather(idx_v, [t >> 8])
            c = plsc.load_gather(idx_v, [t & 255])
            fbuf[pl.ds(u, 16)] = r * _V + c

    def start_gather(fbuf, vals, sem):
        pltpu.async_copy(w_sh.at[fbuf], vals.at[pl.ds(0, _CHUNK)], sem)

    def wait_gather(fbuf, vals, sem):
        pltpu.make_async_copy(
            w_sh.at[fbuf], vals.at[pl.ds(0, _CHUNK)], sem).wait()

    tailmask = iota16 < 2

    def reformat(vals, g, obuf):
        @pl.loop(0, _L)
        def _(m):
            src = g * (_L * _L) + m * _L
            for q in range(3):
                v = plsc.load_gather(vals, [iota16 + (src + q * 16)])
                obuf[m, pl.ds(q * 16, 16)] = v
            v = plsc.load_gather(vals, [iota16 + (src + 48)], mask=tailmask)
            plsc.store_scatter(obuf, [jnp.full((16,), m, jnp.int32),
                                      iota16 + 48], v, mask=tailmask)

    def out_dst(step, g):
        b = bbase + step * _G + g
        return out_hbm.at[b]

    def emit_chunk(step, vals, first):
        for g in range(_G):
            obuf = obuf0 if g % 2 == 0 else obuf1
            sem = so0 if g % 2 == 0 else so1
            if g >= 2:
                pltpu.make_async_copy(obuf, out_dst(step, g - 2), sem).wait()
            else:
                @pl.when(jnp.logical_not(first))
                def _():
                    pltpu.make_async_copy(
                        obuf, out_dst(step - 1, g + 2), sem).wait()
            reformat(vals, g, obuf)
            pltpu.async_copy(obuf, out_dst(step, g), sem)

    build(0, fbuf0)
    start_gather(fbuf0, vals0, sg0)

    @pl.loop(0, _STEPS // 2)
    def _(h):
        s0 = h * 2

        build(s0 + 1, fbuf1)
        start_gather(fbuf1, vals1, sg1)
        wait_gather(fbuf0, vals0, sg0)
        emit_chunk(s0, vals0, h == 0)

        @pl.when(h < _STEPS // 2 - 1)
        def _():
            build(s0 + 2, fbuf0)
            start_gather(fbuf0, vals0, sg0)

        wait_gather(fbuf1, vals1, sg1)
        emit_chunk(s0 + 1, vals1, False)

    pltpu.make_async_copy(obuf0, out_dst(_STEPS - 1, 2), so0).wait()
    pltpu.make_async_copy(obuf1, out_dst(_STEPS - 1, 3), so1).wait()


def _packed_table():
    u = jnp.arange(_CHUNK, dtype=jnp.int32)
    b_loc = u // (_L * _L)
    k = u % (_L * _L)
    bi = b_loc * _L + k // _L
    bj = b_loc * _L + k % _L
    return bi * 256 + bj


def kernel(indices, innerVars):
    bt = _packed_table()
    return _sc_kmat(innerVars.reshape(_V * _V), indices.reshape(_B * _L), bt)

# --- scband reference (transcript-rebuilt; emitter-appended) ---
"""Pipeline reference for scband-kmat-layer-910533067119 (READ-ONLY COPY).

The authoritative reference and input builder live on the scoring server;
editing this copy changes nothing except your own understanding.
"""

import jax, jax.numpy as jnp
import numpy as np

V = 1000
B = 16384
L = 50


def setup_inputs(seed: int = 0) -> dict:
    key = jax.random.key(seed)
    k1, k2 = jax.random.split(key)
    indices = jax.random.randint(k1, (B, L), 0, V, dtype=jnp.int32)
    innerVars = jax.random.normal(k2, (V, V), dtype=jnp.float32)
    return {"indices": indices, "innerVars": innerVars}


def reference(indices, innerVars):
    # Faithful translation of tf.vectorized_map(lambda idx: tf.gather(tf.gather(W, idx), idx, axis=1), indices)
    def per_row(idx):
        g = jnp.take(innerVars, idx, axis=0)   # [L, V]
        return jnp.take(g, idx, axis=1)        # [L, L]
    return jax.vmap(per_row)(indices)           # [B, L, L]

if __name__ == "__main__":
    import jax
    _d = setup_inputs()
    print(jax.jit(kernel)(*tuple(_d.values())))

</pallas_src>

<mosaic_0001>
#map = affine_map<(d0, d1) -> (0)>
#map1 = affine_map<(d0, d1) -> (0, 0, 0)>
module attributes {stable_mosaic.version = 14 : i64} {
  func.func @_sc_kmat(%arg0: i32, %arg1: i32, %arg2: memref<1000000xf32, #tpu.memory_space<hbm>>, %arg3: memref<819200xi32, #tpu.memory_space<hbm>>, %arg4: memref<10000xi32, #tpu.memory_space<hbm>>, %arg5: memref<16384x50x50xf32, #tpu.memory_space<hbm>>, %arg6: memref<200xi32, #tpu.memory_space<vmem>>, %arg7: memref<10000xi32, #tpu.memory_space<vmem>>, %arg8: memref<10000xi32, #tpu.memory_space<vmem>>, %arg9: memref<10000xi32, #tpu.memory_space<vmem>>, %arg10: memref<10016xf32, #tpu.memory_space<vmem>>, %arg11: memref<10016xf32, #tpu.memory_space<vmem>>, %arg12: memref<50x50xf32, #tpu.memory_space<vmem>>, %arg13: memref<50x50xf32, #tpu.memory_space<vmem>>, %arg14: memref<1000000xf32, #tpu.memory_space<vmem_shared>>, %arg15: memref<!tpu.dma_semaphore, #tpu.memory_space<semaphore_mem>>, %arg16: memref<!tpu.dma_semaphore, #tpu.memory_space<semaphore_mem>>, %arg17: memref<!tpu.dma_semaphore, #tpu.memory_space<semaphore_mem>>, %arg18: memref<!tpu.dma_semaphore, #tpu.memory_space<semaphore_mem>>, %arg19: memref<!tpu.dma_semaphore, #tpu.memory_space<semaphore_mem>>) attributes {dimension_semantics = [#tpu.dimension_semantics<core_parallel>, #tpu.dimension_semantics<subcore_parallel>], iteration_bounds = array<i64: 2, 16>, scalar_prefetch = 0 : i64, scratch_operands = 14 : i64, tpu.core_type = #tpu.core_type<sc_vector_subcore>, window_params = [{transform_indices = #map}, {transform_indices = #map}, {transform_indices = #map}, {transform_indices = #map1}]} {
    %mul3A = arith.constant 2 : i32
    %mul3A_0 = arith.muli %arg1, %mul3A : i32
    %add3A = arith.addi %mul3A_0, %arg0 : i32
    %mul3A_1 = arith.constant 512 : i32
    %mul3A_2 = arith.muli %add3A, %mul3A_1 : i32
    %mul3A_3 = arith.constant 50 : i32
    %mul3A_4 = arith.muli %mul3A_2, %mul3A_3 : i32
    %mul3A_5 = arith.constant 512 : i32
    %mul3A_6 = arith.muli %add3A, %mul3A_5 : i32
    %eq3A = arith.constant 0 : i32
    %eq3A_7 = arith.cmpi eq, %arg1, %eq3A : i32
    %convert_element_type3A = arith.extui %eq3A_7 : i1 to i32
    %cond3A = arith.constant 0 : i32
    %cond3A_8 = arith.cmpi ne, %convert_element_type3A, %cond3A : i32
    scf.if %cond3A_8 {
      tpu.enqueue_dma source(%arg2 : memref<1000000xf32, #tpu.memory_space<hbm>>) target(%arg14 : memref<1000000xf32, #tpu.memory_space<vmem_shared>>) target_semaphore(%arg15 : memref<!tpu.dma_semaphore, #tpu.memory_space<semaphore_mem>>)
      tpu.wait_dma2 semaphore(%arg15 : memref<!tpu.dma_semaphore, #tpu.memory_space<semaphore_mem>>) src(%arg2 : memref<1000000xf32, #tpu.memory_space<hbm>>) dst(%arg14 : memref<1000000xf32, #tpu.memory_space<vmem_shared>>)
    } else {
    }
    "tpu.region"() ({
      %run_scoped3A = tpu.sem_alloc : memref<!tpu.dma_semaphore, #tpu.memory_space<semaphore_mem>>
      tpu.enqueue_dma source(%arg4 : memref<10000xi32, #tpu.memory_space<hbm>>) target(%arg7 : memref<10000xi32, #tpu.memory_space<vmem>>) target_semaphore(%run_scoped3A : memref<!tpu.dma_semaphore, #tpu.memory_space<semaphore_mem>>)
      tpu.wait_dma2 semaphore(%run_scoped3A : memref<!tpu.dma_semaphore, #tpu.memory_space<semaphore_mem>>) src(%arg4 : memref<10000xi32, #tpu.memory_space<hbm>>) dst(%arg7 : memref<10000xi32, #tpu.memory_space<vmem>>)
      tpu.yield
    }) : () -> ()
    %barrier3A = arith.constant 0 : index
    tpu.barrier barrier_id(%barrier3A)
    %iota3A = tpu.iota {dimensions = array<i32: 0>} : vector<16xi32>
    %lt3A = arith.constant 2 : i32
    %lt3A_9 = vector.broadcast %lt3A : i32 to vector<16xi32>
    %lt3A_10 = arith.cmpi slt, %iota3A, %lt3A_9 : vector<16xi32>
    %add3A_11 = arith.constant 0 : i32
    %add3A_12 = arith.addi %mul3A_4, %add3A_11 : i32
    "tpu.region"() ({
      %run_scoped3A = tpu.sem_alloc : memref<!tpu.dma_semaphore, #tpu.memory_space<semaphore_mem>>
      %dma_start3A_48 = tpu.memref_slice %arg3[%add3A_12] : memref<819200xi32, #tpu.memory_space<hbm>> -> memref<200xi32, #tpu.memory_space<hbm>>
      %dma_start3A_49 = tpu.memref_slice %arg3[%add3A_12] : memref<819200xi32, #tpu.memory_space<hbm>> -> memref<200xi32, #tpu.memory_space<hbm>>
      tpu.enqueue_dma source(%dma_start3A_49 : memref<200xi32, #tpu.memory_space<hbm>>) target(%arg6 : memref<200xi32, #tpu.memory_space<vmem>>) target_semaphore(%run_scoped3A : memref<!tpu.dma_semaphore, #tpu.memory_space<semaphore_mem>>)
      %dma_wait3A_50 = tpu.memref_slice %arg3[%add3A_12] : memref<819200xi32, #tpu.memory_space<hbm>> -> memref<200xi32, #tpu.memory_space<hbm>>
      %dma_wait3A_51 = tpu.memref_slice %arg3[%add3A_12] : memref<819200xi32, #tpu.memory_space<hbm>> -> memref<200xi32, #tpu.memory_space<hbm>>
      tpu.wait_dma2 semaphore(%run_scoped3A : memref<!tpu.dma_semaphore, #tpu.memory_space<semaphore_mem>>) src(%dma_wait3A_51 : memref<200xi32, #tpu.memory_space<hbm>>) dst(%arg6 : memref<200xi32, #tpu.memory_space<vmem>>)
      tpu.yield
    }) : () -> ()
    %scan3A = arith.constant 0 : i32
    %scan3A_13 = arith.constant 625 : i32
    %scan3A_14 = arith.addi %scan3A, %scan3A_13 : i32
    %scan3A_15 = arith.constant 1 : i32
    scf.for %scan3A_48 = %scan3A to %scan3A_14 step %scan3A_15  : i32 {
      %mul3A_49 = arith.constant 1 : i32
      %mul3A_50 = arith.muli %scan3A_48, %mul3A_49 : i32
      %add3A_51 = arith.constant 0 : i32
      %add3A_52 = arith.addi %add3A_51, %mul3A_50 : i32
      %mul3A_53 = arith.constant 16 : i32
      %mul3A_54 = arith.muli %add3A_52, %mul3A_53 : i32
      %get3A = arith.index_cast %mul3A_54 : i32 to index
      %get3A_55 = tpu.vector_load %arg7[%get3A] {strides = array<i32>} : memref<10000xi32, #tpu.memory_space<vmem>>, vector<16xi32>,
      %shift_right_arithmetic3A = arith.constant 8 : i32
      %shift_right_arithmetic3A_56 = vector.broadcast %shift_right_arithmetic3A : i32 to vector<16xi32>
      %shift_right_arithmetic3A_57 = arith.shrsi %get3A_55, %shift_right_arithmetic3A_56 : vector<16xi32>
      %gather3A = tpu.vector_load_idx %arg6[%shift_right_arithmetic3A_57] : memref<200xi32, #tpu.memory_space<vmem>>[vector<16xi32>], vector<16xi32>,
      %and3A = arith.constant 255 : i32
      %and3A_58 = vector.broadcast %and3A : i32 to vector<16xi32>
      %and3A_59 = arith.andi %get3A_55, %and3A_58 : vector<16xi32>
      %gather3A_60 = tpu.vector_load_idx %arg6[%and3A_59] : memref<200xi32, #tpu.memory_space<vmem>>[vector<16xi32>], vector<16xi32>,
      %mul3A_61 = arith.constant 1000 : i32
      %mul3A_62 = vector.broadcast %mul3A_61 : i32 to vector<16xi32>
      %mul3A_63 = arith.muli %gather3A, %mul3A_62 : vector<16xi32>
      %add3A_64 = arith.addi %mul3A_63, %gather3A_60 : vector<16xi32>
      %swap3A = arith.index_cast %mul3A_54 : i32 to index
      %swap3A_65 = tpu.vector_load %arg8[%swap3A] {strides = array<i32>} : memref<10000xi32, #tpu.memory_space<vmem>>, vector<16xi32>,
      tpu.vector_store %arg8[%swap3A], %add3A_64 {strides = array<i32>} : memref<10000xi32, #tpu.memory_space<vmem>>, vector<16xi32>,
    }
    %scan3A_16 = arith.constant 625 : i32
    %dma_start3A = arith.constant 0 : i32
    %dma_start3A_17 = tpu.memref_slice %arg10[%dma_start3A] : memref<10016xf32, #tpu.memory_space<vmem>> -> memref<10000xf32, #tpu.memory_space<vmem>>
    %dma_start3A_18 = arith.constant 0 : i32
    %dma_start3A_19 = tpu.memref_slice %arg14[%dma_start3A_18] : memref<1000000xf32, #tpu.memory_space<vmem_shared>> -> memref<1000000xf32, #tpu.memory_space<vmem_shared>>
    tpu.enqueue_indirect_dma source(%dma_start3A_19 : memref<1000000xf32, #tpu.memory_space<vmem_shared>>) target(%dma_start3A_17 : memref<10000xf32, #tpu.memory_space<vmem>>) offsets(%arg8 : memref<10000xi32, #tpu.memory_space<vmem>>) semaphore(%arg16 : memref<!tpu.dma_semaphore, #tpu.memory_space<semaphore_mem>>)
    %scan3A_20 = arith.constant 0 : i32
    %scan3A_21 = arith.constant 64 : i32
    %scan3A_22 = arith.addi %scan3A_20, %scan3A_21 : i32
    %scan3A_23 = arith.constant 1 : i32
    scf.for %scan3A_48 = %scan3A_20 to %scan3A_22 step %scan3A_23  : i32 {
      %mul3A_49 = arith.constant 1 : i32
      %mul3A_50 = arith.muli %scan3A_48, %mul3A_49 : i32
      %add3A_51 = arith.constant 0 : i32
      %add3A_52 = arith.addi %add3A_51, %mul3A_50 : i32
      %mul3A_53 = arith.constant 2 : i32
      %mul3A_54 = arith.muli %add3A_52, %mul3A_53 : i32
      %add3A_55 = arith.constant 1 : i32
      %add3A_56 = arith.addi %mul3A_54, %add3A_55 : i32
      %mul3A_57 = arith.constant 200 : i32
      %mul3A_58 = arith.muli %add3A_56, %mul3A_57 : i32
      %add3A_59 = arith.addi %mul3A_4, %mul3A_58 : i32
      "tpu.region"() ({
        %run_scoped3A = tpu.sem_alloc : memref<!tpu.dma_semaphore, #tpu.memory_space<semaphore_mem>>
        %dma_start3A_303 = tpu.memref_slice %arg3[%add3A_59] : memref<819200xi32, #tpu.memory_space<hbm>> -> memref<200xi32, #tpu.memory_space<hbm>>
        %dma_start3A_304 = tpu.memref_slice %arg3[%add3A_59] : memref<819200xi32, #tpu.memory_space<hbm>> -> memref<200xi32, #tpu.memory_space<hbm>>
        tpu.enqueue_dma source(%dma_start3A_304 : memref<200xi32, #tpu.memory_space<hbm>>) target(%arg6 : memref<200xi32, #tpu.memory_space<vmem>>) target_semaphore(%run_scoped3A : memref<!tpu.dma_semaphore, #tpu.memory_space<semaphore_mem>>)
        %dma_wait3A_305 = tpu.memref_slice %arg3[%add3A_59] : memref<819200xi32, #tpu.memory_space<hbm>> -> memref<200xi32, #tpu.memory_space<hbm>>
        %dma_wait3A_306 = tpu.memref_slice %arg3[%add3A_59] : memref<819200xi32, #tpu.memory_space<hbm>> -> memref<200xi32, #tpu.memory_space<hbm>>
        tpu.wait_dma2 semaphore(%run_scoped3A : memref<!tpu.dma_semaphore, #tpu.memory_space<semaphore_mem>>) src(%dma_wait3A_306 : memref<200xi32, #tpu.memory_space<hbm>>) dst(%arg6 : memref<200xi32, #tpu.memory_space<vmem>>)
        tpu.yield
      }) : () -> ()
      %scan3A_60 = arith.constant 0 : i32
      %scan3A_61 = arith.constant 625 : i32
      %scan3A_62 = arith.addi %scan3A_60, %scan3A_61 : i32
      %scan3A_63 = arith.constant 1 : i32
      scf.for %scan3A_303 = %scan3A_60 to %scan3A_62 step %scan3A_63  : i32 {
        %mul3A_304 = arith.constant 1 : i32
        %mul3A_305 = arith.muli %scan3A_303, %mul3A_304 : i32
        %add3A_306 = arith.constant 0 : i32
        %add3A_307 = arith.addi %add3A_306, %mul3A_305 : i32
        %mul3A_308 = arith.constant 16 : i32
        %mul3A_309 = arith.muli %add3A_307, %mul3A_308 : i32
        %get3A = arith.index_cast %mul3A_309 : i32 to index
        %get3A_310 = tpu.vector_load %arg7[%get3A] {strides = array<i32>} : memref<10000xi32, #tpu.memory_space<vmem>>, vector<16xi32>,
        %shift_right_arithmetic3A = arith.constant 8 : i32
        %shift_right_arithmetic3A_311 = vector.broadcast %shift_right_arithmetic3A : i32 to vector<16xi32>
        %shift_right_arithmetic3A_312 = arith.shrsi %get3A_310, %shift_right_arithmetic3A_311 : vector<16xi32>
        %gather3A = tpu.vector_load_idx %arg6[%shift_right_arithmetic3A_312] : memref<200xi32, #tpu.memory_space<vmem>>[vector<16xi32>], vector<16xi32>,
        %and3A = arith.constant 255 : i32
        %and3A_313 = vector.broadcast %and3A : i32 to vector<16xi32>
        %and3A_314 = arith.andi %get3A_310, %and3A_313 : vector<16xi32>
        %gather3A_315 = tpu.vector_load_idx %arg6[%and3A_314] : memref<200xi32, #tpu.memory_space<vmem>>[vector<16xi32>], vector<16xi32>,
        %mul3A_316 = arith.constant 1000 : i32
        %mul3A_317 = vector.broadcast %mul3A_316 : i32 to vector<16xi32>
        %mul3A_318 = arith.muli %gather3A, %mul3A_317 : vector<16xi32>
        %add3A_319 = arith.addi %mul3A_318, %gather3A_315 : vector<16xi32>
        %swap3A = arith.index_cast %mul3A_309 : i32 to index
        %swap3A_320 = tpu.vector_load %arg9[%swap3A] {strides = array<i32>} : memref<10000xi32, #tpu.memory_space<vmem>>, vector<16xi32>,
        tpu.vector_store %arg9[%swap3A], %add3A_319 {strides = array<i32>} : memref<10000xi32, #tpu.memory_space<vmem>>, vector<16xi32>,
      }
      %scan3A_64 = arith.constant 625 : i32
      %dma_start3A_65 = arith.constant 0 : i32
      %dma_start3A_66 = tpu.memref_slice %arg11[%dma_start3A_65] : memref<10016xf32, #tpu.memory_space<vmem>> -> memref<10000xf32, #tpu.memory_space<vmem>>
      %dma_start3A_67 = arith.constant 0 : i32
      %dma_start3A_68 = tpu.memref_slice %arg14[%dma_start3A_67] : memref<1000000xf32, #tpu.memory_space<vmem_shared>> -> memref<1000000xf32, #tpu.memory_space<vmem_shared>>
      tpu.enqueue_indirect_dma source(%dma_start3A_68 : memref<1000000xf32, #tpu.memory_space<vmem_shared>>) target(%dma_start3A_66 : memref<10000xf32, #tpu.memory_space<vmem>>) offsets(%arg9 : memref<10000xi32, #tpu.memory_space<vmem>>) semaphore(%arg17 : memref<!tpu.dma_semaphore, #tpu.memory_space<semaphore_mem>>)
      %dma_wait3A_69 = arith.constant 0 : i32
      %dma_wait3A_70 = tpu.memref_slice %arg10[%dma_wait3A_69] : memref<10016xf32, #tpu.memory_space<vmem>> -> memref<10000xf32, #tpu.memory_space<vmem>>
      %dma_wait3A_71 = arith.constant 0 : i32
      %dma_wait3A_72 = tpu.memref_slice %arg14[%dma_wait3A_71] : memref<1000000xf32, #tpu.memory_space<vmem_shared>> -> memref<1000000xf32, #tpu.memory_space<vmem_shared>>
      tpu.wait_indirect_dma semaphore(%arg16 : memref<!tpu.dma_semaphore, #tpu.memory_space<semaphore_mem>>) src(%dma_wait3A_72 : memref<1000000xf32, #tpu.memory_space<vmem_shared>>) dst(%dma_wait3A_70 : memref<10000xf32, #tpu.memory_space<vmem>>)
      %eq3A_73 = arith.constant 0 : i32
      %eq3A_74 = arith.cmpi eq, %add3A_52, %eq3A_73 : i32
      %not3A = arith.constant true
      %not3A_75 = arith.xori %eq3A_74, %not3A : i1
      %convert_element_type3A_76 = arith.extui %not3A_75 : i1 to i32
      %cond3A_77 = arith.constant 0 : i32
      %cond3A_78 = arith.cmpi ne, %convert_element_type3A_76, %cond3A_77 : i32
      scf.if %cond3A_78 {
        %sub3A = arith.constant 1 : i32
        %sub3A_303 = arith.subi %mul3A_54, %sub3A : i32
        %mul3A_304 = arith.constant 4 : i32
        %mul3A_305 = arith.muli %sub3A_303, %mul3A_304 : i32
        %add3A_306 = arith.addi %mul3A_6, %mul3A_305 : i32
        %add3A_307 = arith.constant 2 : i32
        %add3A_308 = arith.addi %add3A_306, %add3A_307 : i32
        %dma_wait3A_309 = arith.constant 0 : i32
        %dma_wait3A_310 = arith.constant 0 : i32
        %dma_wait3A_311 = tpu.memref_slice %arg5[%add3A_308, %dma_wait3A_309, %dma_wait3A_310] : memref<16384x50x50xf32, #tpu.memory_space<hbm>> -> memref<1x50x50xf32, #tpu.memory_space<hbm>>
        %dma_wait3A_312 = tpu.memref_squeeze %dma_wait3A_311 : memref<1x50x50xf32, #tpu.memory_space<hbm>> -> memref<50x50xf32, #tpu.memory_space<hbm>>
        %dma_wait3A_313 = arith.constant 0 : i32
        %dma_wait3A_314 = arith.constant 0 : i32
        %dma_wait3A_315 = tpu.memref_slice %arg5[%add3A_308, %dma_wait3A_313, %dma_wait3A_314] : memref<16384x50x50xf32, #tpu.memory_space<hbm>> -> memref<1x50x50xf32, #tpu.memory_space<hbm>>
        %dma_wait3A_316 = tpu.memref_squeeze %dma_wait3A_315 : memref<1x50x50xf32, #tpu.memory_space<hbm>> -> memref<50x50xf32, #tpu.memory_space<hbm>>
        tpu.wait_dma2 semaphore(%arg18 : memref<!tpu.dma_semaphore, #tpu.memory_space<semaphore_mem>>) src(%arg12 : memref<50x50xf32, #tpu.memory_space<vmem>>) dst(%dma_wait3A_316 : memref<50x50xf32, #tpu.memory_space<hbm>>)
      } else {
      }
      %scan3A_79 = arith.constant 0 : i32
      %scan3A_80 = arith.constant 50 : i32
      %scan3A_81 = arith.addi %scan3A_79, %scan3A_80 : i32
      %scan3A_82 = arith.constant 1 : i32
      scf.for %scan3A_303 = %scan3A_79 to %scan3A_81 step %scan3A_82  : i32 {
        %mul3A_304 = arith.constant 1 : i32
        %mul3A_305 = arith.muli %scan3A_303, %mul3A_304 : i32
        %add3A_306 = arith.constant 0 : i32
        %add3A_307 = arith.addi %add3A_306, %mul3A_305 : i32
        %mul3A_308 = arith.constant 50 : i32
        %mul3A_309 = arith.muli %add3A_307, %mul3A_308 : i32
        %add3A_310 = arith.constant 0 : i32
        %add3A_311 = arith.addi %add3A_310, %mul3A_309 : i32
        %add3A_312 = arith.constant 0 : i32
        %add3A_313 = arith.addi %add3A_311, %add3A_312 : i32
        %add3A_314 = vector.broadcast %add3A_313 : i32 to vector<16xi32>
        %add3A_315 = arith.addi %iota3A, %add3A_314 : vector<16xi32>
        %gather3A = tpu.vector_load_idx %arg10[%add3A_315] : memref<10016xf32, #tpu.memory_space<vmem>>[vector<16xi32>], vector<16xf32>,
        %swap3A = arith.index_cast %add3A_307 : i32 to index
        %swap3A_316 = arith.constant 0 : index
        %swap3A_317 = tpu.vector_load %arg12[%swap3A, %swap3A_316] {strides = array<i32>} : memref<50x50xf32, #tpu.memory_space<vmem>>, vector<16xf32>,
        tpu.vector_store %arg12[%swap3A, %swap3A_316], %gather3A {strides = array<i32>} : memref<50x50xf32, #tpu.memory_space<vmem>>, vector<16xf32>,
        %add3A_318 = arith.constant 16 : i32
        %add3A_319 = arith.addi %add3A_311, %add3A_318 : i32
        %add3A_320 = vector.broadcast %add3A_319 : i32 to vector<16xi32>
        %add3A_321 = arith.addi %iota3A, %add3A_320 : vector<16xi32>
        %gather3A_322 = tpu.vector_load_idx %arg10[%add3A_321] : memref<10016xf32, #tpu.memory_space<vmem>>[vector<16xi32>], vector<16xf32>,
        %swap3A_323 = arith.index_cast %add3A_307 : i32 to index
        %swap3A_324 = arith.constant 16 : index
        %swap3A_325 = tpu.vector_load %arg12[%swap3A_323, %swap3A_324] {strides = array<i32>} : memref<50x50xf32, #tpu.memory_space<vmem>>, vector<16xf32>,
        tpu.vector_store %arg12[%swap3A_323, %swap3A_324], %gather3A_322 {strides = array<i32>} : memref<50x50xf32, #tpu.memory_space<vmem>>, vector<16xf32>,
        %add3A_326 = arith.constant 32 : i32
        %add3A_327 = arith.addi %add3A_311, %add3A_326 : i32
        %add3A_328 = vector.broadcast %add3A_327 : i32 to vector<16xi32>
        %add3A_329 = arith.addi %iota3A, %add3A_328 : vector<16xi32>
        %gather3A_330 = tpu.vector_load_idx %arg10[%add3A_329] : memref<10016xf32, #tpu.memory_space<vmem>>[vector<16xi32>], vector<16xf32>,
        %swap3A_331 = arith.index_cast %add3A_307 : i32 to index
        %swap3A_332 = arith.constant 32 : index
        %swap3A_333 = tpu.vector_load %arg12[%swap3A_331, %swap3A_332] {strides = array<i32>} : memref<50x50xf32, #tpu.memory_space<vmem>>, vector<16xf32>,
        tpu.vector_store %arg12[%swap3A_331, %swap3A_332], %gather3A_330 {strides = array<i32>} : memref<50x50xf32, #tpu.memory_space<vmem>>, vector<16xf32>,
        %add3A_334 = arith.constant 48 : i32
        %add3A_335 = arith.addi %add3A_311, %add3A_334 : i32
        %add3A_336 = vector.broadcast %add3A_335 : i32 to vector<16xi32>
        %add3A_337 = arith.addi %iota3A, %add3A_336 : vector<16xi32>
        %gather3A_338 = tpu.vector_load_idx %arg10[%add3A_337] masked %lt3A_10 : memref<10016xf32, #tpu.memory_space<vmem>>[vector<16xi32>], vector<16xf32>, vector<16xi1>
        %broadcast_in_dim3A = vector.broadcast %add3A_307 : i32 to vector<16xi32>
        %add3A_339 = arith.constant 48 : i32
        %add3A_340 = vector.broadcast %add3A_339 : i32 to vector<16xi32>
        %add3A_341 = arith.addi %iota3A, %add3A_340 : vector<16xi32>
        tpu.vector_store_idx %arg12[%broadcast_in_dim3A, %add3A_341], %gather3A_338 masked %lt3A_10 : memref<50x50xf32, #tpu.memory_space<vmem>>[vector<16xi32>, vector<16xi32>], vector<16xf32>, vector<16xi1>
      }
      %scan3A_83 = arith.constant 50 : i32
      %mul3A_84 = arith.constant 4 : i32
      %mul3A_85 = arith.muli %mul3A_54, %mul3A_84 : i32
      %add3A_86 = arith.addi %mul3A_6, %mul3A_85 : i32
      %add3A_87 = arith.constant 0 : i32
      %add3A_88 = arith.addi %add3A_86, %add3A_87 : i32
      %dma_start3A_89 = arith.constant 0 : i32
      %dma_start3A_90 = arith.constant 0 : i32
      %dma_start3A_91 = tpu.memref_slice %arg5[%add3A_88, %dma_start3A_89, %dma_start3A_90] : memref<16384x50x50xf32, #tpu.memory_space<hbm>> -> memref<1x50x50xf32, #tpu.memory_space<hbm>>
      %dma_start3A_92 = tpu.memref_squeeze %dma_start3A_91 : memref<1x50x50xf32, #tpu.memory_space<hbm>> -> memref<50x50xf32, #tpu.memory_space<hbm>>
      %dma_start3A_93 = arith.constant 0 : i32
      %dma_start3A_94 = arith.constant 0 : i32
      %dma_start3A_95 = tpu.memref_slice %arg5[%add3A_88, %dma_start3A_93, %dma_start3A_94] : memref<16384x50x50xf32, #tpu.memory_space<hbm>> -> memref<1x50x50xf32, #tpu.memory_space<hbm>>
      %dma_start3A_96 = tpu.memref_squeeze %dma_start3A_95 : memref<1x50x50xf32, #tpu.memory_space<hbm>> -> memref<50x50xf32, #tpu.memory_space<hbm>>
      tpu.enqueue_dma source(%arg12 : memref<50x50xf32, #tpu.memory_space<vmem>>) target(%dma_start3A_96 : memref<50x50xf32, #tpu.memory_space<hbm>>) target_semaphore(%arg18 : memref<!tpu.dma_semaphore, #tpu.memory_space<semaphore_mem>>)
      %not3A_97 = arith.constant true
      %not3A_98 = arith.xori %eq3A_74, %not3A_97 : i1
      %convert_element_type3A_99 = arith.extui %not3A_98 : i1 to i32
      %cond3A_100 = arith.constant 0 : i32
      %cond3A_101 = arith.cmpi ne, %convert_element_type3A_99, %cond3A_100 : i32
      scf.if %cond3A_101 {
        %sub3A = arith.constant 1 : i32
        %sub3A_303 = arith.subi %mul3A_54, %sub3A : i32
        %mul3A_304 = arith.constant 4 : i32
        %mul3A_305 = arith.muli %sub3A_303, %mul3A_304 : i32
        %add3A_306 = arith.addi %mul3A_6, %mul3A_305 : i32
        %add3A_307 = arith.constant 3 : i32
        %add3A_308 = arith.addi %add3A_306, %add3A_307 : i32
        %dma_wait3A_309 = arith.constant 0 : i32
        %dma_wait3A_310 = arith.constant 0 : i32
        %dma_wait3A_311 = tpu.memref_slice %arg5[%add3A_308, %dma_wait3A_309, %dma_wait3A_310] : memref<16384x50x50xf32, #tpu.memory_space<hbm>> -> memref<1x50x50xf32, #tpu.memory_space<hbm>>
        %dma_wait3A_312 = tpu.memref_squeeze %dma_wait3A_311 : memref<1x50x50xf32, #tpu.memory_space<hbm>> -> memref<50x50xf32, #tpu.memory_space<hbm>>
        %dma_wait3A_313 = arith.constant 0 : i32
        %dma_wait3A_314 = arith.constant 0 : i32
        %dma_wait3A_315 = tpu.memref_slice %arg5[%add3A_308, %dma_wait3A_313, %dma_wait3A_314] : memref<16384x50x50xf32, #tpu.memory_space<hbm>> -> memref<1x50x50xf32, #tpu.memory_space<hbm>>
        %dma_wait3A_316 = tpu.memref_squeeze %dma_wait3A_315 : memref<1x50x50xf32, #tpu.memory_space<hbm>> -> memref<50x50xf32, #tpu.memory_space<hbm>>
        tpu.wait_dma2 semaphore(%arg19 : memref<!tpu.dma_semaphore, #tpu.memory_space<semaphore_mem>>) src(%arg13 : memref<50x50xf32, #tpu.memory_space<vmem>>) dst(%dma_wait3A_316 : memref<50x50xf32, #tpu.memory_space<hbm>>)
      } else {
      }
      %scan3A_102 = arith.constant 0 : i32
      %scan3A_103 = arith.constant 50 : i32
      %scan3A_104 = arith.addi %scan3A_102, %scan3A_103 : i32
      %scan3A_105 = arith.constant 1 : i32
      scf.for %scan3A_303 = %scan3A_102 to %scan3A_104 step %scan3A_105  : i32 {
        %mul3A_304 = arith.constant 1 : i32
        %mul3A_305 = arith.muli %scan3A_303, %mul3A_304 : i32
        %add3A_306 = arith.constant 0 : i32
        %add3A_307 = arith.addi %add3A_306, %mul3A_305 : i32
        %mul3A_308 = arith.constant 50 : i32
        %mul3A_309 = arith.muli %add3A_307, %mul3A_308 : i32
        %add3A_310 = arith.constant 2500 : i32
        %add3A_311 = arith.addi %add3A_310, %mul3A_309 : i32
        %add3A_312 = arith.constant 0 : i32
        %add3A_313 = arith.addi %add3A_311, %add3A_312 : i32
        %add3A_314 = vector.broadcast %add3A_313 : i32 to vector<16xi32>
        %add3A_315 = arith.addi %iota3A, %add3A_314 : vector<16xi32>
        %gather3A = tpu.vector_load_idx %arg10[%add3A_315] : memref<10016xf32, #tpu.memory_space<vmem>>[vector<16xi32>], vector<16xf32>,
        %swap3A = arith.index_cast %add3A_307 : i32 to index
        %swap3A_316 = arith.constant 0 : index
        %swap3A_317 = tpu.vector_load %arg13[%swap3A, %swap3A_316] {strides = array<i32>} : memref<50x50xf32, #tpu.memory_space<vmem>>, vector<16xf32>,
        tpu.vector_store %arg13[%swap3A, %swap3A_316], %gather3A {strides = array<i32>} : memref<50x50xf32, #tpu.memory_space<vmem>>, vector<16xf32>,
        %add3A_318 = arith.constant 16 : i32
        %add3A_319 = arith.addi %add3A_311, %add3A_318 : i32
        %add3A_320 = vector.broadcast %add3A_319 : i32 to vector<16xi32>
        %add3A_321 = arith.addi %iota3A, %add3A_320 : vector<16xi32>
        %gather3A_322 = tpu.vector_load_idx %arg10[%add3A_321] : memref<10016xf32, #tpu.memory_space<vmem>>[vector<16xi32>], vector<16xf32>,
        %swap3A_323 = arith.index_cast %add3A_307 : i32 to index
        %swap3A_324 = arith.constant 16 : index
        %swap3A_325 = tpu.vector_load %arg13[%swap3A_323, %swap3A_324] {strides = array<i32>} : memref<50x50xf32, #tpu.memory_space<vmem>>, vector<16xf32>,
        tpu.vector_store %arg13[%swap3A_323, %swap3A_324], %gather3A_322 {strides = array<i32>} : memref<50x50xf32, #tpu.memory_space<vmem>>, vector<16xf32>,
        %add3A_326 = arith.constant 32 : i32
        %add3A_327 = arith.addi %add3A_311, %add3A_326 : i32
        %add3A_328 = vector.broadcast %add3A_327 : i32 to vector<16xi32>
        %add3A_329 = arith.addi %iota3A, %add3A_328 : vector<16xi32>
        %gather3A_330 = tpu.vector_load_idx %arg10[%add3A_329] : memref<10016xf32, #tpu.memory_space<vmem>>[vector<16xi32>], vector<16xf32>,
        %swap3A_331 = arith.index_cast %add3A_307 : i32 to index
        %swap3A_332 = arith.constant 32 : index
        %swap3A_333 = tpu.vector_load %arg13[%swap3A_331, %swap3A_332] {strides = array<i32>} : memref<50x50xf32, #tpu.memory_space<vmem>>, vector<16xf32>,
        tpu.vector_store %arg13[%swap3A_331, %swap3A_332], %gather3A_330 {strides = array<i32>} : memref<50x50xf32, #tpu.memory_space<vmem>>, vector<16xf32>,
        %add3A_334 = arith.constant 48 : i32
        %add3A_335 = arith.addi %add3A_311, %add3A_334 : i32
        %add3A_336 = vector.broadcast %add3A_335 : i32 to vector<16xi32>
        %add3A_337 = arith.addi %iota3A, %add3A_336 : vector<16xi32>
        %gather3A_338 = tpu.vector_load_idx %arg10[%add3A_337] masked %lt3A_10 : memref<10016xf32, #tpu.memory_space<vmem>>[vector<16xi32>], vector<16xf32>, vector<16xi1>
        %broadcast_in_dim3A = vector.broadcast %add3A_307 : i32 to vector<16xi32>
        %add3A_339 = arith.constant 48 : i32
        %add3A_340 = vector.broadcast %add3A_339 : i32 to vector<16xi32>
        %add3A_341 = arith.addi %iota3A, %add3A_340 : vector<16xi32>
        tpu.vector_store_idx %arg13[%broadcast_in_dim3A, %add3A_341], %gather3A_338 masked %lt3A_10 : memref<50x50xf32, #tpu.memory_space<vmem>>[vector<16xi32>, vector<16xi32>], vector<16xf32>, vector<16xi1>
      }
      %scan3A_106 = arith.constant 50 : i32
      %mul3A_107 = arith.constant 4 : i32
      %mul3A_108 = arith.muli %mul3A_54, %mul3A_107 : i32
      %add3A_109 = arith.addi %mul3A_6, %mul3A_108 : i32
      %add3A_110 = arith.constant 1 : i32
      %add3A_111 = arith.addi %add3A_109, %add3A_110 : i32
      %dma_start3A_112 = arith.constant 0 : i32
      %dma_start3A_113 = arith.constant 0 : i32
      %dma_start3A_114 = tpu.memref_slice %arg5[%add3A_111, %dma_start3A_112, %dma_start3A_113] : memref<16384x50x50xf32, #tpu.memory_space<hbm>> -> memref<1x50x50xf32, #tpu.memory_space<hbm>>
      %dma_start3A_115 = tpu.memref_squeeze %dma_start3A_114 : memref<1x50x50xf32, #tpu.memory_space<hbm>> -> memref<50x50xf32, #tpu.memory_space<hbm>>
      %dma_start3A_116 = arith.constant 0 : i32
      %dma_start3A_117 = arith.constant 0 : i32
      %dma_start3A_118 = tpu.memref_slice %arg5[%add3A_111, %dma_start3A_116, %dma_start3A_117] : memref<16384x50x50xf32, #tpu.memory_space<hbm>> -> memref<1x50x50xf32, #tpu.memory_space<hbm>>
      %dma_start3A_119 = tpu.memref_squeeze %dma_start3A_118 : memref<1x50x50xf32, #tpu.memory_space<hbm>> -> memref<50x50xf32, #tpu.memory_space<hbm>>
      tpu.enqueue_dma source(%arg13 : memref<50x50xf32, #tpu.memory_space<vmem>>) target(%dma_start3A_119 : memref<50x50xf32, #tpu.memory_space<hbm>>) target_semaphore(%arg19 : memref<!tpu.dma_semaphore, #tpu.memory_space<semaphore_mem>>)
      %mul3A_120 = arith.constant 4 : i32
      %mul3A_121 = arith.muli %mul3A_54, %mul3A_120 : i32
      %add3A_122 = arith.addi %mul3A_6, %mul3A_121 : i32
      %add3A_123 = arith.constant 0 : i32
      %add3A_124 = arith.addi %add3A_122, %add3A_123 : i32
      %dma_wait3A_125 = arith.constant 0 : i32
      %dma_wait3A_126 = arith.constant 0 : i32
      %dma_wait3A_127 = tpu.memref_slice %arg5[%add3A_124, %dma_wait3A_125, %dma_wait3A_126] : memref<16384x50x50xf32, #tpu.memory_space<hbm>> -> memref<1x50x50xf32, #tpu.memory_space<hbm>>
      %dma_wait3A_128 = tpu.memref_squeeze %dma_wait3A_127 : memref<1x50x50xf32, #tpu.memory_space<hbm>> -> memref<50x50xf32, #tpu.memory_space<hbm>>
      %dma_wait3A_129 = arith.constant 0 : i32
      %dma_wait3A_130 = arith.constant 0 : i32
      %dma_wait3A_131 = tpu.memref_slice %arg5[%add3A_124, %dma_wait3A_129, %dma_wait3A_130] : memref<16384x50x50xf32, #tpu.memory_space<hbm>> -> memref<1x50x50xf32, #tpu.memory_space<hbm>>
      %dma_wait3A_132 = tpu.memref_squeeze %dma_wait3A_131 : memref<1x50x50xf32, #tpu.memory_space<hbm>> -> memref<50x50xf32, #tpu.memory_space<hbm>>
      tpu.wait_dma2 semaphore(%arg18 : memref<!tpu.dma_semaphore, #tpu.memory_space<semaphore_mem>>) src(%arg12 : memref<50x50xf32, #tpu.memory_space<vmem>>) dst(%dma_wait3A_132 : memref<50x50xf32, #tpu.memory_space<hbm>>)
      %scan3A_133 = arith.constant 0 : i32
      %scan3A_134 = arith.constant 50 : i32
      %scan3A_135 = arith.addi %scan3A_133, %scan3A_134 : i32
      %scan3A_136 = arith.constant 1 : i32
      scf.for %scan3A_303 = %scan3A_133 to %scan3A_135 step %scan3A_136  : i32 {
        %mul3A_304 = arith.constant 1 : i32
        %mul3A_305 = arith.muli %scan3A_303, %mul3A_304 : i32
        %add3A_306 = arith.constant 0 : i32
        %add3A_307 = arith.addi %add3A_306, %mul3A_305 : i32
        %mul3A_308 = arith.constant 50 : i32
        %mul3A_309 = arith.muli %add3A_307, %mul3A_308 : i32
        %add3A_310 = arith.constant 5000 : i32
        %add3A_311 = arith.addi %add3A_310, %mul3A_309 : i32
        %add3A_312 = arith.constant 0 : i32
        %add3A_313 = arith.addi %add3A_311, %add3A_312 : i32
        %add3A_314 = vector.broadcast %add3A_313 : i32 to vector<16xi32>
        %add3A_315 = arith.addi %iota3A, %add3A_314 : vector<16xi32>
        %gather3A = tpu.vector_load_idx %arg10[%add3A_315] : memref<10016xf32, #tpu.memory_space<vmem>>[vector<16xi32>], vector<16xf32>,
        %swap3A = arith.index_cast %add3A_307 : i32 to index
        %swap3A_316 = arith.constant 0 : index
        %swap3A_317 = tpu.vector_load %arg12[%swap3A, %swap3A_316] {strides = array<i32>} : memref<50x50xf32, #tpu.memory_space<vmem>>, vector<16xf32>,
        tpu.vector_store %arg12[%swap3A, %swap3A_316], %gather3A {strides = array<i32>} : memref<50x50xf32, #tpu.memory_space<vmem>>, vector<16xf32>,
        %add3A_318 = arith.constant 16 : i32
        %add3A_319 = arith.addi %add3A_311, %add3A_318 : i32
        %add3A_320 = vector.broadcast %add3A_319 : i32 to vector<16xi32>
        %add3A_321 = arith.addi %iota3A, %add3A_320 : vector<16xi32>
        %gather3A_322 = tpu.vector_load_idx %arg10[%add3A_321] : memref<10016xf32, #tpu.memory_space<vmem>>[vector<16xi32>], vector<16xf32>,
        %swap3A_323 = arith.index_cast %add3A_307 : i32 to index
        %swap3A_324 = arith.constant 16 : index
        %swap3A_325 = tpu.vector_load %arg12[%swap3A_323, %swap3A_324] {strides = array<i32>} : memref<50x50xf32, #tpu.memory_space<vmem>>, vector<16xf32>,
        tpu.vector_store %arg12[%swap3A_323, %swap3A_324], %gather3A_322 {strides = array<i32>} : memref<50x50xf32, #tpu.memory_space<vmem>>, vector<16xf32>,
        %add3A_326 = arith.constant 32 : i32
        %add3A_327 = arith.addi %add3A_311, %add3A_326 : i32
        %add3A_328 = vector.broadcast %add3A_327 : i32 to vector<16xi32>
        %add3A_329 = arith.addi %iota3A, %add3A_328 : vector<16xi32>
        %gather3A_330 = tpu.vector_load_idx %arg10[%add3A_329] : memref<10016xf32, #tpu.memory_space<vmem>>[vector<16xi32>], vector<16xf32>,
        %swap3A_331 = arith.index_cast %add3A_307 : i32 to index
        %swap3A_332 = arith.constant 32 : index
        %swap3A_333 = tpu.vector_load %arg12[%swap3A_331, %swap3A_332] {strides = array<i32>} : memref<50x50xf32, #tpu.memory_space<vmem>>, vector<16xf32>,
        tpu.vector_store %arg12[%swap3A_331, %swap3A_332], %gather3A_330 {strides = array<i32>} : memref<50x50xf32, #tpu.memory_space<vmem>>, vector<16xf32>,
        %add3A_334 = arith.constant 48 : i32
        %add3A_335 = arith.addi %add3A_311, %add3A_334 : i32
        %add3A_336 = vector.broadcast %add3A_335 : i32 to vector<16xi32>
        %add3A_337 = arith.addi %iota3A, %add3A_336 : vector<16xi32>
        %gather3A_338 = tpu.vector_load_idx %arg10[%add3A_337] masked %lt3A_10 : memref<10016xf32, #tpu.memory_space<vmem>>[vector<16xi32>], vector<16xf32>, vector<16xi1>
        %broadcast_in_dim3A = vector.broadcast %add3A_307 : i32 to vector<16xi32>
        %add3A_339 = arith.constant 48 : i32
        %add3A_340 = vector.broadcast %add3A_339 : i32 to vector<16xi32>
        %add3A_341 = arith.addi %iota3A, %add3A_340 : vector<16xi32>
        tpu.vector_store_idx %arg12[%broadcast_in_dim3A, %add3A_341], %gather3A_338 masked %lt3A_10 : memref<50x50xf32, #tpu.memory_space<vmem>>[vector<16xi32>, vector<16xi32>], vector<16xf32>, vector<16xi1>
      }
      %scan3A_137 = arith.constant 50 : i32
      %mul3A_138 = arith.constant 4 : i32
      %mul3A_139 = arith.muli %mul3A_54, %mul3A_138 : i32
      %add3A_140 = arith.addi %mul3A_6, %mul3A_139 : i32
      %add3A_141 = arith.constant 2 : i32
      %add3A_142 = arith.addi %add3A_140, %add3A_141 : i32
      %dma_start3A_143 = arith.constant 0 : i32
      %dma_start3A_144 = arith.constant 0 : i32
      %dma_start3A_145 = tpu.memref_slice %arg5[%add3A_142, %dma_start3A_143, %dma_start3A_144] : memref<16384x50x50xf32, #tpu.memory_space<hbm>> -> memref<1x50x50xf32, #tpu.memory_space<hbm>>
      %dma_start3A_146 = tpu.memref_squeeze %dma_start3A_145 : memref<1x50x50xf32, #tpu.memory_space<hbm>> -> memref<50x50xf32, #tpu.memory_space<hbm>>
      %dma_start3A_147 = arith.constant 0 : i32
      %dma_start3A_148 = arith.constant 0 : i32
      %dma_start3A_149 = tpu.memref_slice %arg5[%add3A_142, %dma_start3A_147, %dma_start3A_148] : memref<16384x50x50xf32, #tpu.memory_space<hbm>> -> memref<1x50x50xf32, #tpu.memory_space<hbm>>
      %dma_start3A_150 = tpu.memref_squeeze %dma_start3A_149 : memref<1x50x50xf32, #tpu.memory_space<hbm>> -> memref<50x50xf32, #tpu.memory_space<hbm>>
      tpu.enqueue_dma source(%arg12 : memref<50x50xf32, #tpu.memory_space<vmem>>) target(%dma_start3A_150 : memref<50x50xf32, #tpu.memory_space<hbm>>) target_semaphore(%arg18 : memref<!tpu.dma_semaphore, #tpu.memory_space<semaphore_mem>>)
      %mul3A_151 = arith.constant 4 : i32
      %mul3A_152 = arith.muli %mul3A_54, %mul3A_151 : i32
      %add3A_153 = arith.addi %mul3A_6, %mul3A_152 : i32
      %add3A_154 = arith.constant 1 : i32
      %add3A_155 = arith.addi %add3A_153, %add3A_154 : i32
      %dma_wait3A_156 = arith.constant 0 : i32
      %dma_wait3A_157 = arith.constant 0 : i32
      %dma_wait3A_158 = tpu.memref_slice %arg5[%add3A_155, %dma_wait3A_156, %dma_wait3A_157] : memref<16384x50x50xf32, #tpu.memory_space<hbm>> -> memref<1x50x50xf32, #tpu.memory_space<hbm>>
      %dma_wait3A_159 = tpu.memref_squeeze %dma_wait3A_158 : memref<1x50x50xf32, #tpu.memory_space<hbm>> -> memref<50x50xf32, #tpu.memory_space<hbm>>
      %dma_wait3A_160 = arith.constant 0 : i32
      %dma_wait3A_161 = arith.constant 0 : i32
      %dma_wait3A_162 = tpu.memref_slice %arg5[%add3A_155, %dma_wait3A_160, %dma_wait3A_161] : memref<16384x50x50xf32, #tpu.memory_space<hbm>> -> memref<1x50x50xf32, #tpu.memory_space<hbm>>
      %dma_wait3A_163 = tpu.memref_squeeze %dma_wait3A_162 : memref<1x50x50xf32, #tpu.memory_space<hbm>> -> memref<50x50xf32, #tpu.memory_space<hbm>>
      tpu.wait_dma2 semaphore(%arg19 : memref<!tpu.dma_semaphore, #tpu.memory_space<semaphore_mem>>) src(%arg13 : memref<50x50xf32, #tpu.memory_space<vmem>>) dst(%dma_wait3A_163 : memref<50x50xf32, #tpu.memory_space<hbm>>)
      %scan3A_164 = arith.constant 0 : i32
      %scan3A_165 = arith.constant 50 : i32
      %scan3A_166 = arith.addi %scan3A_164, %scan3A_165 : i32
      %scan3A_167 = arith.constant 1 : i32
      scf.for %scan3A_303 = %scan3A_164 to %scan3A_166 step %scan3A_167  : i32 {
        %mul3A_304 = arith.constant 1 : i32
        %mul3A_305 = arith.muli %scan3A_303, %mul3A_304 : i32
        %add3A_306 = arith.constant 0 : i32
        %add3A_307 = arith.addi %add3A_306, %mul3A_305 : i32
        %mul3A_308 = arith.constant 50 : i32
        %mul3A_309 = arith.muli %add3A_307, %mul3A_308 : i32
        %add3A_310 = arith.constant 7500 : i32
        %add3A_311 = arith.addi %add3A_310, %mul3A_309 : i32
        %add3A_312 = arith.constant 0 : i32
        %add3A_313 = arith.addi %add3A_311, %add3A_312 : i32
        %add3A_314 = vector.broadcast %add3A_313 : i32 to vector<16xi32>
        %add3A_315 = arith.addi %iota3A, %add3A_314 : vector<16xi32>
        %gather3A = tpu.vector_load_idx %arg10[%add3A_315] : memref<10016xf32, #tpu.memory_space<vmem>>[vector<16xi32>], vector<16xf32>,
        %swap3A = arith.index_cast %add3A_307 : i32 to index
        %swap3A_316 = arith.constant 0 : index
        %swap3A_317 = tpu.vector_load %arg13[%swap3A, %swap3A_316] {strides = array<i32>} : memref<50x50xf32, #tpu.memory_space<vmem>>, vector<16xf32>,
        tpu.vector_store %arg13[%swap3A, %swap3A_316], %gather3A {strides = array<i32>} : memref<50x50xf32, #tpu.memory_space<vmem>>, vector<16xf32>,
        %add3A_318 = arith.constant 16 : i32
        %add3A_319 = arith.addi %add3A_311, %add3A_318 : i32
        %add3A_320 = vector.broadcast %add3A_319 : i32 to vector<16xi32>
        %add3A_321 = arith.addi %iota3A, %add3A_320 : vector<16xi32>
        %gather3A_322 = tpu.vector_load_idx %arg10[%add3A_321] : memref<10016xf32, #tpu.memory_space<vmem>>[vector<16xi32>], vector<16xf32>,
        %swap3A_323 = arith.index_cast %add3A_307 : i32 to index
        %swap3A_324 = arith.constant 16 : index
        %swap3A_325 = tpu.vector_load %arg13[%swap3A_323, %swap3A_324] {strides = array<i32>} : memref<50x50xf32, #tpu.memory_space<vmem>>, vector<16xf32>,
        tpu.vector_store %arg13[%swap3A_323, %swap3A_324], %gather3A_322 {strides = array<i32>} : memref<50x50xf32, #tpu.memory_space<vmem>>, vector<16xf32>,
        %add3A_326 = arith.constant 32 : i32
        %add3A_327 = arith.addi %add3A_311, %add3A_326 : i32
        %add3A_328 = vector.broadcast %add3A_327 : i32 to vector<16xi32>
        %add3A_329 = arith.addi %iota3A, %add3A_328 : vector<16xi32>
        %gather3A_330 = tpu.vector_load_idx %arg10[%add3A_329] : memref<10016xf32, #tpu.memory_space<vmem>>[vector<16xi32>], vector<16xf32>,
        %swap3A_331 = arith.index_cast %add3A_307 : i32 to index
        %swap3A_332 = arith.constant 32 : index
        %swap3A_333 = tpu.vector_load %arg13[%swap3A_331, %swap3A_332] {strides = array<i32>} : memref<50x50xf32, #tpu.memory_space<vmem>>, vector<16xf32>,
        tpu.vector_store %arg13[%swap3A_331, %swap3A_332], %gather3A_330 {strides = array<i32>} : memref<50x50xf32, #tpu.memory_space<vmem>>, vector<16xf32>,
        %add3A_334 = arith.constant 48 : i32
        %add3A_335 = arith.addi %add3A_311, %add3A_334 : i32
        %add3A_336 = vector.broadcast %add3A_335 : i32 to vector<16xi32>
        %add3A_337 = arith.addi %iota3A, %add3A_336 : vector<16xi32>
        %gather3A_338 = tpu.vector_load_idx %arg10[%add3A_337] masked %lt3A_10 : memref<10016xf32, #tpu.memory_space<vmem>>[vector<16xi32>], vector<16xf32>, vector<16xi1>
        %broadcast_in_dim3A = vector.broadcast %add3A_307 : i32 to vector<16xi32>
        %add3A_339 = arith.constant 48 : i32
        %add3A_340 = vector.broadcast %add3A_339 : i32 to vector<16xi32>
        %add3A_341 = arith.addi %iota3A, %add3A_340 : vector<16xi32>
        tpu.vector_store_idx %arg13[%broadcast_in_dim3A, %add3A_341], %gather3A_338 masked %lt3A_10 : memref<50x50xf32, #tpu.memory_space<vmem>>[vector<16xi32>, vector<16xi32>], vector<16xf32>, vector<16xi1>
      }
      %scan3A_168 = arith.constant 50 : i32
      %mul3A_169 = arith.constant 4 : i32
      %mul3A_170 = arith.muli %mul3A_54, %mul3A_169 : i32
      %add3A_171 = arith.addi %mul3A_6, %mul3A_170 : i32
      %add3A_172 = arith.constant 3 : i32
      %add3A_173 = arith.addi %add3A_171, %add3A_172 : i32
      %dma_start3A_174 = arith.constant 0 : i32
      %dma_start3A_175 = arith.constant 0 : i32
      %dma_start3A_176 = tpu.memref_slice %arg5[%add3A_173, %dma_start3A_174, %dma_start3A_175] : memref<16384x50x50xf32, #tpu.memory_space<hbm>> -> memref<1x50x50xf32, #tpu.memory_space<hbm>>
      %dma_start3A_177 = tpu.memref_squeeze %dma_start3A_176 : memref<1x50x50xf32, #tpu.memory_space<hbm>> -> memref<50x50xf32, #tpu.memory_space<hbm>>
      %dma_start3A_178 = arith.constant 0 : i32
      %dma_start3A_179 = arith.constant 0 : i32
      %dma_start3A_180 = tpu.memref_slice %arg5[%add3A_173, %dma_start3A_178, %dma_start3A_179] : memref<16384x50x50xf32, #tpu.memory_space<hbm>> -> memref<1x50x50xf32, #tpu.memory_space<hbm>>
      %dma_start3A_181 = tpu.memref_squeeze %dma_start3A_180 : memref<1x50x50xf32, #tpu.memory_space<hbm>> -> memref<50x50xf32, #tpu.memory_space<hbm>>
      tpu.enqueue_dma source(%arg13 : memref<50x50xf32, #tpu.memory_space<vmem>>) target(%dma_start3A_181 : memref<50x50xf32, #tpu.memory_space<hbm>>) target_semaphore(%arg19 : memref<!tpu.dma_semaphore, #tpu.memory_space<semaphore_mem>>)
      %lt3A_182 = arith.constant 63 : i32
      %lt3A_183 = arith.cmpi slt, %add3A_52, %lt3A_182 : i32
      %convert_element_type3A_184 = arith.extui %lt3A_183 : i1 to i32
      %cond3A_185 = arith.constant 0 : i32
      %cond3A_186 = arith.cmpi ne, %convert_element_type3A_184, %cond3A_185 : i32
      scf.if %cond3A_186 {
        %add3A_303 = arith.constant 2 : i32
        %add3A_304 = arith.addi %mul3A_54, %add3A_303 : i32
        %mul3A_305 = arith.constant 200 : i32
        %mul3A_306 = arith.muli %add3A_304, %mul3A_305 : i32
        %add3A_307 = arith.addi %mul3A_4, %mul3A_306 : i32
        "tpu.region"() ({
          %run_scoped3A = tpu.sem_alloc : memref<!tpu.dma_semaphore, #tpu.memory_space<semaphore_mem>>
          %dma_start3A_317 = tpu.memref_slice %arg3[%add3A_307] : memref<819200xi32, #tpu.memory_space<hbm>> -> memref<200xi32, #tpu.memory_space<hbm>>
          %dma_start3A_318 = tpu.memref_slice %arg3[%add3A_307] : memref<819200xi32, #tpu.memory_space<hbm>> -> memref<200xi32, #tpu.memory_space<hbm>>
          tpu.enqueue_dma source(%dma_start3A_318 : memref<200xi32, #tpu.memory_space<hbm>>) target(%arg6 : memref<200xi32, #tpu.memory_space<vmem>>) target_semaphore(%run_scoped3A : memref<!tpu.dma_semaphore, #tpu.memory_space<semaphore_mem>>)
          %dma_wait3A_319 = tpu.memref_slice %arg3[%add3A_307] : memref<819200xi32, #tpu.memory_space<hbm>> -> memref<200xi32, #tpu.memory_space<hbm>>
          %dma_wait3A_320 = tpu.memref_slice %arg3[%add3A_307] : memref<819200xi32, #tpu.memory_space<hbm>> -> memref<200xi32, #tpu.memory_space<hbm>>
          tpu.wait_dma2 semaphore(%run_scoped3A : memref<!tpu.dma_semaphore, #tpu.memory_space<semaphore_mem>>) src(%dma_wait3A_320 : memref<200xi32, #tpu.memory_space<hbm>>) dst(%arg6 : memref<200xi32, #tpu.memory_space<vmem>>)
          tpu.yield
        }) : () -> ()
        %scan3A_308 = arith.constant 0 : i32
        %scan3A_309 = arith.constant 625 : i32
        %scan3A_310 = arith.addi %scan3A_308, %scan3A_309 : i32
        %scan3A_311 = arith.constant 1 : i32
        scf.for %scan3A_317 = %scan3A_308 to %scan3A_310 step %scan3A_311  : i32 {
          %mul3A_318 = arith.constant 1 : i32
          %mul3A_319 = arith.muli %scan3A_317, %mul3A_318 : i32
          %add3A_320 = arith.constant 0 : i32
          %add3A_321 = arith.addi %add3A_320, %mul3A_319 : i32
          %mul3A_322 = arith.constant 16 : i32
          %mul3A_323 = arith.muli %add3A_321, %mul3A_322 : i32
          %get3A = arith.index_cast %mul3A_323 : i32 to index
          %get3A_324 = tpu.vector_load %arg7[%get3A] {strides = array<i32>} : memref<10000xi32, #tpu.memory_space<vmem>>, vector<16xi32>,
          %shift_right_arithmetic3A = arith.constant 8 : i32
          %shift_right_arithmetic3A_325 = vector.broadcast %shift_right_arithmetic3A : i32 to vector<16xi32>
          %shift_right_arithmetic3A_326 = arith.shrsi %get3A_324, %shift_right_arithmetic3A_325 : vector<16xi32>
          %gather3A = tpu.vector_load_idx %arg6[%shift_right_arithmetic3A_326] : memref<200xi32, #tpu.memory_space<vmem>>[vector<16xi32>], vector<16xi32>,
          %and3A = arith.constant 255 : i32
          %and3A_327 = vector.broadcast %and3A : i32 to vector<16xi32>
          %and3A_328 = arith.andi %get3A_324, %and3A_327 : vector<16xi32>
          %gather3A_329 = tpu.vector_load_idx %arg6[%and3A_328] : memref<200xi32, #tpu.memory_space<vmem>>[vector<16xi32>], vector<16xi32>,
          %mul3A_330 = arith.constant 1000 : i32
          %mul3A_331 = vector.broadcast %mul3A_330 : i32 to vector<16xi32>
          %mul3A_332 = arith.muli %gather3A, %mul3A_331 : vector<16xi32>
          %add3A_333 = arith.addi %mul3A_332, %gather3A_329 : vector<16xi32>
          %swap3A = arith.index_cast %mul3A_323 : i32 to index
          %swap3A_334 = tpu.vector_load %arg8[%swap3A] {strides = array<i32>} : memref<10000xi32, #tpu.memory_space<vmem>>, vector<16xi32>,
          tpu.vector_store %arg8[%swap3A], %add3A_333 {strides = array<i32>} : memref<10000xi32, #tpu.memory_space<vmem>>, vector<16xi32>,
        }
        %scan3A_312 = arith.constant 625 : i32
        %dma_start3A_313 = arith.constant 0 : i32
        %dma_start3A_314 = tpu.memref_slice %arg10[%dma_start3A_313] : memref<10016xf32, #tpu.memory_space<vmem>> -> memref<10000xf32, #tpu.memory_space<vmem>>
        %dma_start3A_315 = arith.constant 0 : i32
        %dma_start3A_316 = tpu.memref_slice %arg14[%dma_start3A_315] : memref<1000000xf32, #tpu.memory_space<vmem_shared>> -> memref<1000000xf32, #tpu.memory_space<vmem_shared>>
        tpu.enqueue_indirect_dma source(%dma_start3A_316 : memref<1000000xf32, #tpu.memory_space<vmem_shared>>) target(%dma_start3A_314 : memref<10000xf32, #tpu.memory_space<vmem>>) offsets(%arg8 : memref<10000xi32, #tpu.memory_space<vmem>>) semaphore(%arg16 : memref<!tpu.dma_semaphore, #tpu.memory_space<semaphore_mem>>)
      } else {
      }
      %dma_wait3A_187 = arith.constant 0 : i32
      %dma_wait3A_188 = tpu.memref_slice %arg11[%dma_wait3A_187] : memref<10016xf32, #tpu.memory_space<vmem>> -> memref<10000xf32, #tpu.memory_space<vmem>>
      %dma_wait3A_189 = arith.constant 0 : i32
      %dma_wait3A_190 = tpu.memref_slice %arg14[%dma_wait3A_189] : memref<1000000xf32, #tpu.memory_space<vmem_shared>> -> memref<1000000xf32, #tpu.memory_space<vmem_shared>>
      tpu.wait_indirect_dma semaphore(%arg17 : memref<!tpu.dma_semaphore, #tpu.memory_space<semaphore_mem>>) src(%dma_wait3A_190 : memref<1000000xf32, #tpu.memory_space<vmem_shared>>) dst(%dma_wait3A_188 : memref<10000xf32, #tpu.memory_space<vmem>>)
      %add3A_191 = arith.constant 1 : i32
      %add3A_192 = arith.addi %mul3A_54, %add3A_191 : i32
      %not3A_193 = arith.constant false
      %not3A_194 = arith.constant true
      %not3A_195 = arith.xori %not3A_193, %not3A_194 : i1
      %convert_element_type3A_196 = arith.extui %not3A_195 : i1 to i32
      %cond3A_197 = arith.constant 0 : i32
      %cond3A_198 = arith.cmpi ne, %convert_element_type3A_196, %cond3A_197 : i32
      scf.if %cond3A_198 {
        %sub3A = arith.constant 1 : i32
        %sub3A_303 = arith.subi %add3A_192, %sub3A : i32
        %mul3A_304 = arith.constant 4 : i32
        %mul3A_305 = arith.muli %sub3A_303, %mul3A_304 : i32
        %add3A_306 = arith.addi %mul3A_6, %mul3A_305 : i32
        %add3A_307 = arith.constant 2 : i32
        %add3A_308 = arith.addi %add3A_306, %add3A_307 : i32
        %dma_wait3A_309 = arith.constant 0 : i32
        %dma_wait3A_310 = arith.constant 0 : i32
        %dma_wait3A_311 = tpu.memref_slice %arg5[%add3A_308, %dma_wait3A_309, %dma_wait3A_310] : memref<16384x50x50xf32, #tpu.memory_space<hbm>> -> memref<1x50x50xf32, #tpu.memory_space<hbm>>
        %dma_wait3A_312 = tpu.memref_squeeze %dma_wait3A_311 : memref<1x50x50xf32, #tpu.memory_space<hbm>> -> memref<50x50xf32, #tpu.memory_space<hbm>>
        %dma_wait3A_313 = arith.constant 0 : i32
        %dma_wait3A_314 = arith.constant 0 : i32
        %dma_wait3A_315 = tpu.memref_slice %arg5[%add3A_308, %dma_wait3A_313, %dma_wait3A_314] : memref<16384x50x50xf32, #tpu.memory_space<hbm>> -> memref<1x50x50xf32, #tpu.memory_space<hbm>>
        %dma_wait3A_316 = tpu.memref_squeeze %dma_wait3A_315 : memref<1x50x50xf32, #tpu.memory_space<hbm>> -> memref<50x50xf32, #tpu.memory_space<hbm>>
        tpu.wait_dma2 semaphore(%arg18 : memref<!tpu.dma_semaphore, #tpu.memory_space<semaphore_mem>>) src(%arg12 : memref<50x50xf32, #tpu.memory_space<vmem>>) dst(%dma_wait3A_316 : memref<50x50xf32, #tpu.memory_space<hbm>>)
      } else {
      }
      %scan3A_199 = arith.constant 0 : i32
      %scan3A_200 = arith.constant 50 : i32
      %scan3A_201 = arith.addi %scan3A_199, %scan3A_200 : i32
      %scan3A_202 = arith.constant 1 : i32
      scf.for %scan3A_303 = %scan3A_199 to %scan3A_201 step %scan3A_202  : i32 {
        %mul3A_304 = arith.constant 1 : i32
        %mul3A_305 = arith.muli %scan3A_303, %mul3A_304 : i32
        %add3A_306 = arith.constant 0 : i32
        %add3A_307 = arith.addi %add3A_306, %mul3A_305 : i32
        %mul3A_308 = arith.constant 50 : i32
        %mul3A_309 = arith.muli %add3A_307, %mul3A_308 : i32
        %add3A_310 = arith.constant 0 : i32
        %add3A_311 = arith.addi %add3A_310, %mul3A_309 : i32
        %add3A_312 = arith.constant 0 : i32
        %add3A_313 = arith.addi %add3A_311, %add3A_312 : i32
        %add3A_314 = vector.broadcast %add3A_313 : i32 to vector<16xi32>
        %add3A_315 = arith.addi %iota3A, %add3A_314 : vector<16xi32>
        %gather3A = tpu.vector_load_idx %arg11[%add3A_315] : memref<10016xf32, #tpu.memory_space<vmem>>[vector<16xi32>], vector<16xf32>,
        %swap3A = arith.index_cast %add3A_307 : i32 to index
        %swap3A_316 = arith.constant 0 : index
        %swap3A_317 = tpu.vector_load %arg12[%swap3A, %swap3A_316] {strides = array<i32>} : memref<50x50xf32, #tpu.memory_space<vmem>>, vector<16xf32>,
        tpu.vector_store %arg12[%swap3A, %swap3A_316], %gather3A {strides = array<i32>} : memref<50x50xf32, #tpu.memory_space<vmem>>, vector<16xf32>,
        %add3A_318 = arith.constant 16 : i32
        %add3A_319 = arith.addi %add3A_311, %add3A_318 : i32
        %add3A_320 = vector.broadcast %add3A_319 : i32 to vector<16xi32>
        %add3A_321 = arith.addi %iota3A, %add3A_320 : vector<16xi32>
        %gather3A_322 = tpu.vector_load_idx %arg11[%add3A_321] : memref<10016xf32, #tpu.memory_space<vmem>>[vector<16xi32>], vector<16xf32>,
        %swap3A_323 = arith.index_cast %add3A_307 : i32 to index
        %swap3A_324 = arith.constant 16 : index
        %swap3A_325 = tpu.vector_load %arg12[%swap3A_323, %swap3A_324] {strides = array<i32>} : memref<50x50xf32, #tpu.memory_space<vmem>>, vector<16xf32>,
        tpu.vector_store %arg12[%swap3A_323, %swap3A_324], %gather3A_322 {strides = array<i32>} : memref<50x50xf32, #tpu.memory_space<vmem>>, vector<16xf32>,
        %add3A_326 = arith.constant 32 : i32
        %add3A_327 = arith.addi %add3A_311, %add3A_326 : i32
        %add3A_328 = vector.broadcast %add3A_327 : i32 to vector<16xi32>
        %add3A_329 = arith.addi %iota3A, %add3A_328 : vector<16xi32>
        %gather3A_330 = tpu.vector_load_idx %arg11[%add3A_329] : memref<10016xf32, #tpu.memory_space<vmem>>[vector<16xi32>], vector<16xf32>,
        %swap3A_331 = arith.index_cast %add3A_307 : i32 to index
        %swap3A_332 = arith.constant 32 : index
        %swap3A_333 = tpu.vector_load %arg12[%swap3A_331, %swap3A_332] {strides = array<i32>} : memref<50x50xf32, #tpu.memory_space<vmem>>, vector<16xf32>,
        tpu.vector_store %arg12[%swap3A_331, %swap3A_332], %gather3A_330 {strides = array<i32>} : memref<50x50xf32, #tpu.memory_space<vmem>>, vector<16xf32>,
        %add3A_334 = arith.constant 48 : i32
        %add3A_335 = arith.addi %add3A_311, %add3A_334 : i32
        %add3A_336 = vector.broadcast %add3A_335 : i32 to vector<16xi32>
        %add3A_337 = arith.addi %iota3A, %add3A_336 : vector<16xi32>
        %gather3A_338 = tpu.vector_load_idx %arg11[%add3A_337] masked %lt3A_10 : memref<10016xf32, #tpu.memory_space<vmem>>[vector<16xi32>], vector<16xf32>, vector<16xi1>
        %broadcast_in_dim3A = vector.broadcast %add3A_307 : i32 to vector<16xi32>
        %add3A_339 = arith.constant 48 : i32
        %add3A_340 = vector.broadcast %add3A_339 : i32 to vector<16xi32>
        %add3A_341 = arith.addi %iota3A, %add3A_340 : vector<16xi32>
        tpu.vector_store_idx %arg12[%broadcast_in_dim3A, %add3A_341], %gather3A_338 masked %lt3A_10 : memref<50x50xf32, #tpu.memory_space<vmem>>[vector<16xi32>, vector<16xi32>], vector<16xf32>, vector<16xi1>
      }
      %scan3A_203 = arith.constant 50 : i32
      %mul3A_204 = arith.constant 4 : i32
      %mul3A_205 = arith.muli %add3A_192, %mul3A_204 : i32
      %add3A_206 = arith.addi %mul3A_6, %mul3A_205 : i32
      %add3A_207 = arith.constant 0 : i32
      %add3A_208 = arith.addi %add3A_206, %add3A_207 : i32
      %dma_start3A_209 = arith.constant 0 : i32
      %dma_start3A_210 = arith.constant 0 : i32
      %dma_start3A_211 = tpu.memref_slice %arg5[%add3A_208, %dma_start3A_209, %dma_start3A_210] : memref<16384x50x50xf32, #tpu.memory_space<hbm>> -> memref<1x50x50xf32, #tpu.memory_space<hbm>>
      %dma_start3A_212 = tpu.memref_squeeze %dma_start3A_211 : memref<1x50x50xf32, #tpu.memory_space<hbm>> -> memref<50x50xf32, #tpu.memory_space<hbm>>
      %dma_start3A_213 = arith.constant 0 : i32
      %dma_start3A_214 = arith.constant 0 : i32
      %dma_start3A_215 = tpu.memref_slice %arg5[%add3A_208, %dma_start3A_213, %dma_start3A_214] : memref<16384x50x50xf32, #tpu.memory_space<hbm>> -> memref<1x50x50xf32, #tpu.memory_space<hbm>>
      %dma_start3A_216 = tpu.memref_squeeze %dma_start3A_215 : memref<1x50x50xf32, #tpu.memory_space<hbm>> -> memref<50x50xf32, #tpu.memory_space<hbm>>
      tpu.enqueue_dma source(%arg12 : memref<50x50xf32, #tpu.memory_space<vmem>>) target(%dma_start3A_216 : memref<50x50xf32, #tpu.memory_space<hbm>>) target_semaphore(%arg18 : memref<!tpu.dma_semaphore, #tpu.memory_space<semaphore_mem>>)
      %not3A_217 = arith.constant false
      %not3A_218 = arith.constant true
      %not3A_219 = arith.xori %not3A_217, %not3A_218 : i1
      %convert_element_type3A_220 = arith.extui %not3A_219 : i1 to i32
      %cond3A_221 = arith.constant 0 : i32
      %cond3A_222 = arith.cmpi ne, %convert_element_type3A_220, %cond3A_221 : i32
      scf.if %cond3A_222 {
        %sub3A = arith.constant 1 : i32
        %sub3A_303 = arith.subi %add3A_192, %sub3A : i32
        %mul3A_304 = arith.constant 4 : i32
        %mul3A_305 = arith.muli %sub3A_303, %mul3A_304 : i32
        %add3A_306 = arith.addi %mul3A_6, %mul3A_305 : i32
        %add3A_307 = arith.constant 3 : i32
        %add3A_308 = arith.addi %add3A_306, %add3A_307 : i32
        %dma_wait3A_309 = arith.constant 0 : i32
        %dma_wait3A_310 = arith.constant 0 : i32
        %dma_wait3A_311 = tpu.memref_slice %arg5[%add3A_308, %dma_wait3A_309, %dma_wait3A_310] : memref<16384x50x50xf32, #tpu.memory_space<hbm>> -> memref<1x50x50xf32, #tpu.memory_space<hbm>>
        %dma_wait3A_312 = tpu.memref_squeeze %dma_wait3A_311 : memref<1x50x50xf32, #tpu.memory_space<hbm>> -> memref<50x50xf32, #tpu.memory_space<hbm>>
        %dma_wait3A_313 = arith.constant 0 : i32
        %dma_wait3A_314 = arith.constant 0 : i32
        %dma_wait3A_315 = tpu.memref_slice %arg5[%add3A_308, %dma_wait3A_313, %dma_wait3A_314] : memref<16384x50x50xf32, #tpu.memory_space<hbm>> -> memref<1x50x50xf32, #tpu.memory_space<hbm>>
        %dma_wait3A_316 = tpu.memref_squeeze %dma_wait3A_315 : memref<1x50x50xf32, #tpu.memory_space<hbm>> -> memref<50x50xf32, #tpu.memory_space<hbm>>
        tpu.wait_dma2 semaphore(%arg19 : memref<!tpu.dma_semaphore, #tpu.memory_space<semaphore_mem>>) src(%arg13 : memref<50x50xf32, #tpu.memory_space<vmem>>) dst(%dma_wait3A_316 : memref<50x50xf32, #tpu.memory_space<hbm>>)
      } else {
      }
      %scan3A_223 = arith.constant 0 : i32
      %scan3A_224 = arith.constant 50 : i32
      %scan3A_225 = arith.addi %scan3A_223, %scan3A_224 : i32
      %scan3A_226 = arith.constant 1 : i32
      scf.for %scan3A_303 = %scan3A_223 to %scan3A_225 step %scan3A_226  : i32 {
        %mul3A_304 = arith.constant 1 : i32
        %mul3A_305 = arith.muli %scan3A_303, %mul3A_304 : i32
        %add3A_306 = arith.constant 0 : i32
        %add3A_307 = arith.addi %add3A_306, %mul3A_305 : i32
        %mul3A_308 = arith.constant 50 : i32
        %mul3A_309 = arith.muli %add3A_307, %mul3A_308 : i32
        %add3A_310 = arith.constant 2500 : i32
        %add3A_311 = arith.addi %add3A_310, %mul3A_309 : i32
        %add3A_312 = arith.constant 0 : i32
        %add3A_313 = arith.addi %add3A_311, %add3A_312 : i32
        %add3A_314 = vector.broadcast %add3A_313 : i32 to vector<16xi32>
        %add3A_315 = arith.addi %iota3A, %add3A_314 : vector<16xi32>
        %gather3A = tpu.vector_load_idx %arg11[%add3A_315] : memref<10016xf32, #tpu.memory_space<vmem>>[vector<16xi32>], vector<16xf32>,
        %swap3A = arith.index_cast %add3A_307 : i32 to index
        %swap3A_316 = arith.constant 0 : index
        %swap3A_317 = tpu.vector_load %arg13[%swap3A, %swap3A_316] {strides = array<i32>} : memref<50x50xf32, #tpu.memory_space<vmem>>, vector<16xf32>,
        tpu.vector_store %arg13[%swap3A, %swap3A_316], %gather3A {strides = array<i32>} : memref<50x50xf32, #tpu.memory_space<vmem>>, vector<16xf32>,
        %add3A_318 = arith.constant 16 : i32
        %add3A_319 = arith.addi %add3A_311, %add3A_318 : i32
        %add3A_320 = vector.broadcast %add3A_319 : i32 to vector<16xi32>
        %add3A_321 = arith.addi %iota3A, %add3A_320 : vector<16xi32>
        %gather3A_322 = tpu.vector_load_idx %arg11[%add3A_321] : memref<10016xf32, #tpu.memory_space<vmem>>[vector<16xi32>], vector<16xf32>,
        %swap3A_323 = arith.index_cast %add3A_307 : i32 to index
        %swap3A_324 = arith.constant 16 : index
        %swap3A_325 = tpu.vector_load %arg13[%swap3A_323, %swap3A_324] {strides = array<i32>} : memref<50x50xf32, #tpu.memory_space<vmem>>, vector<16xf32>,
        tpu.vector_store %arg13[%swap3A_323, %swap3A_324], %gather3A_322 {strides = array<i32>} : memref<50x50xf32, #tpu.memory_space<vmem>>, vector<16xf32>,
        %add3A_326 = arith.constant 32 : i32
        %add3A_327 = arith.addi %add3A_311, %add3A_326 : i32
        %add3A_328 = vector.broadcast %add3A_327 : i32 to vector<16xi32>
        %add3A_329 = arith.addi %iota3A, %add3A_328 : vector<16xi32>
        %gather3A_330 = tpu.vector_load_idx %arg11[%add3A_329] : memref<10016xf32, #tpu.memory_space<vmem>>[vector<16xi32>], vector<16xf32>,
        %swap3A_331 = arith.index_cast %add3A_307 : i32 to index
        %swap3A_332 = arith.constant 32 : index
        %swap3A_333 = tpu.vector_load %arg13[%swap3A_331, %swap3A_332] {strides = array<i32>} : memref<50x50xf32, #tpu.memory_space<vmem>>, vector<16xf32>,
        tpu.vector_store %arg13[%swap3A_331, %swap3A_332], %gather3A_330 {strides = array<i32>} : memref<50x50xf32, #tpu.memory_space<vmem>>, vector<16xf32>,
        %add3A_334 = arith.constant 48 : i32
        %add3A_335 = arith.addi %add3A_311, %add3A_334 : i32
        %add3A_336 = vector.broadcast %add3A_335 : i32 to vector<16xi32>
        %add3A_337 = arith.addi %iota3A, %add3A_336 : vector<16xi32>
        %gather3A_338 = tpu.vector_load_idx %arg11[%add3A_337] masked %lt3A_10 : memref<10016xf32, #tpu.memory_space<vmem>>[vector<16xi32>], vector<16xf32>, vector<16xi1>
        %broadcast_in_dim3A = vector.broadcast %add3A_307 : i32 to vector<16xi32>
        %add3A_339 = arith.constant 48 : i32
        %add3A_340 = vector.broadcast %add3A_339 : i32 to vector<16xi32>
        %add3A_341 = arith.addi %iota3A, %add3A_340 : vector<16xi32>
        tpu.vector_store_idx %arg13[%broadcast_in_dim3A, %add3A_341], %gather3A_338 masked %lt3A_10 : memref<50x50xf32, #tpu.memory_space<vmem>>[vector<16xi32>, vector<16xi32>], vector<16xf32>, vector<16xi1>
      }
      %scan3A_227 = arith.constant 50 : i32
      %mul3A_228 = arith.constant 4 : i32
      %mul3A_229 = arith.muli %add3A_192, %mul3A_228 : i32
      %add3A_230 = arith.addi %mul3A_6, %mul3A_229 : i32
      %add3A_231 = arith.constant 1 : i32
      %add3A_232 = arith.addi %add3A_230, %add3A_231 : i32
      %dma_start3A_233 = arith.constant 0 : i32
      %dma_start3A_234 = arith.constant 0 : i32
      %dma_start3A_235 = tpu.memref_slice %arg5[%add3A_232, %dma_start3A_233, %dma_start3A_234] : memref<16384x50x50xf32, #tpu.memory_space<hbm>> -> memref<1x50x50xf32, #tpu.memory_space<hbm>>
      %dma_start3A_236 = tpu.memref_squeeze %dma_start3A_235 : memref<1x50x50xf32, #tpu.memory_space<hbm>> -> memref<50x50xf32, #tpu.memory_space<hbm>>
      %dma_start3A_237 = arith.constant 0 : i32
      %dma_start3A_238 = arith.constant 0 : i32
      %dma_start3A_239 = tpu.memref_slice %arg5[%add3A_232, %dma_start3A_237, %dma_start3A_238] : memref<16384x50x50xf32, #tpu.memory_space<hbm>> -> memref<1x50x50xf32, #tpu.memory_space<hbm>>
      %dma_start3A_240 = tpu.memref_squeeze %dma_start3A_239 : memref<1x50x50xf32, #tpu.memory_space<hbm>> -> memref<50x50xf32, #tpu.memory_space<hbm>>
      tpu.enqueue_dma source(%arg13 : memref<50x50xf32, #tpu.memory_space<vmem>>) target(%dma_start3A_240 : memref<50x50xf32, #tpu.memory_space<hbm>>) target_semaphore(%arg19 : memref<!tpu.dma_semaphore, #tpu.memory_space<semaphore_mem>>)
      %mul3A_241 = arith.constant 4 : i32
      %mul3A_242 = arith.muli %add3A_192, %mul3A_241 : i32
      %add3A_243 = arith.addi %mul3A_6, %mul3A_242 : i32
      %add3A_244 = arith.constant 0 : i32
      %add3A_245 = arith.addi %add3A_243, %add3A_244 : i32
      %dma_wait3A_246 = arith.constant 0 : i32
      %dma_wait3A_247 = arith.constant 0 : i32
      %dma_wait3A_248 = tpu.memref_slice %arg5[%add3A_245, %dma_wait3A_246, %dma_wait3A_247] : memref<16384x50x50xf32, #tpu.memory_space<hbm>> -> memref<1x50x50xf32, #tpu.memory_space<hbm>>
      %dma_wait3A_249 = tpu.memref_squeeze %dma_wait3A_248 : memref<1x50x50xf32, #tpu.memory_space<hbm>> -> memref<50x50xf32, #tpu.memory_space<hbm>>
      %dma_wait3A_250 = arith.constant 0 : i32
      %dma_wait3A_251 = arith.constant 0 : i32
      %dma_wait3A_252 = tpu.memref_slice %arg5[%add3A_245, %dma_wait3A_250, %dma_wait3A_251] : memref<16384x50x50xf32, #tpu.memory_space<hbm>> -> memref<1x50x50xf32, #tpu.memory_space<hbm>>
      %dma_wait3A_253 = tpu.memref_squeeze %dma_wait3A_252 : memref<1x50x50xf32, #tpu.memory_space<hbm>> -> memref<50x50xf32, #tpu.memory_space<hbm>>
      tpu.wait_dma2 semaphore(%arg18 : memref<!tpu.dma_semaphore, #tpu.memory_space<semaphore_mem>>) src(%arg12 : memref<50x50xf32, #tpu.memory_space<vmem>>) dst(%dma_wait3A_253 : memref<50x50xf32, #tpu.memory_space<hbm>>)
      %scan3A_254 = arith.constant 0 : i32
      %scan3A_255 = arith.constant 50 : i32
      %scan3A_256 = arith.addi %scan3A_254, %scan3A_255 : i32
      %scan3A_257 = arith.constant 1 : i32
      scf.for %scan3A_303 = %scan3A_254 to %scan3A_256 step %scan3A_257  : i32 {
        %mul3A_304 = arith.constant 1 : i32
        %mul3A_305 = arith.muli %scan3A_303, %mul3A_304 : i32
        %add3A_306 = arith.constant 0 : i32
        %add3A_307 = arith.addi %add3A_306, %mul3A_305 : i32
        %mul3A_308 = arith.constant 50 : i32
        %mul3A_309 = arith.muli %add3A_307, %mul3A_308 : i32
        %add3A_310 = arith.constant 5000 : i32
        %add3A_311 = arith.addi %add3A_310, %mul3A_309 : i32
        %add3A_312 = arith.constant 0 : i32
        %add3A_313 = arith.addi %add3A_311, %add3A_312 : i32
        %add3A_314 = vector.broadcast %add3A_313 : i32 to vector<16xi32>
        %add3A_315 = arith.addi %iota3A, %add3A_314 : vector<16xi32>
        %gather3A = tpu.vector_load_idx %arg11[%add3A_315] : memref<10016xf32, #tpu.memory_space<vmem>>[vector<16xi32>], vector<16xf32>,
        %swap3A = arith.index_cast %add3A_307 : i32 to index
        %swap3A_316 = arith.constant 0 : index
        %swap3A_317 = tpu.vector_load %arg12[%swap3A, %swap3A_316] {strides = array<i32>} : memref<50x50xf32, #tpu.memory_space<vmem>>, vector<16xf32>,
        tpu.vector_store %arg12[%swap3A, %swap3A_316], %gather3A {strides = array<i32>} : memref<50x50xf32, #tpu.memory_space<vmem>>, vector<16xf32>,
        %add3A_318 = arith.constant 16 : i32
        %add3A_319 = arith.addi %add3A_311, %add3A_318 : i32
        %add3A_320 = vector.broadcast %add3A_319 : i32 to vector<16xi32>
        %add3A_321 = arith.addi %iota3A, %add3A_320 : vector<16xi32>
        %gather3A_322 = tpu.vector_load_idx %arg11[%add3A_321] : memref<10016xf32, #tpu.memory_space<vmem>>[vector<16xi32>], vector<16xf32>,
        %swap3A_323 = arith.index_cast %add3A_307 : i32 to index
        %swap3A_324 = arith.constant 16 : index
        %swap3A_325 = tpu.vector_load %arg12[%swap3A_323, %swap3A_324] {strides = array<i32>} : memref<50x50xf32, #tpu.memory_space<vmem>>, vector<16xf32>,
        tpu.vector_store %arg12[%swap3A_323, %swap3A_324], %gather3A_322 {strides = array<i32>} : memref<50x50xf32, #tpu.memory_space<vmem>>, vector<16xf32>,
        %add3A_326 = arith.constant 32 : i32
        %add3A_327 = arith.addi %add3A_311, %add3A_326 : i32
        %add3A_328 = vector.broadcast %add3A_327 : i32 to vector<16xi32>
        %add3A_329 = arith.addi %iota3A, %add3A_328 : vector<16xi32>
        %gather3A_330 = tpu.vector_load_idx %arg11[%add3A_329] : memref<10016xf32, #tpu.memory_space<vmem>>[vector<16xi32>], vector<16xf32>,
        %swap3A_331 = arith.index_cast %add3A_307 : i32 to index
        %swap3A_332 = arith.constant 32 : index
        %swap3A_333 = tpu.vector_load %arg12[%swap3A_331, %swap3A_332] {strides = array<i32>} : memref<50x50xf32, #tpu.memory_space<vmem>>, vector<16xf32>,
        tpu.vector_store %arg12[%swap3A_331, %swap3A_332], %gather3A_330 {strides = array<i32>} : memref<50x50xf32, #tpu.memory_space<vmem>>, vector<16xf32>,
        %add3A_334 = arith.constant 48 : i32
        %add3A_335 = arith.addi %add3A_311, %add3A_334 : i32
        %add3A_336 = vector.broadcast %add3A_335 : i32 to vector<16xi32>
        %add3A_337 = arith.addi %iota3A, %add3A_336 : vector<16xi32>
        %gather3A_338 = tpu.vector_load_idx %arg11[%add3A_337] masked %lt3A_10 : memref<10016xf32, #tpu.memory_space<vmem>>[vector<16xi32>], vector<16xf32>, vector<16xi1>
        %broadcast_in_dim3A = vector.broadcast %add3A_307 : i32 to vector<16xi32>
        %add3A_339 = arith.constant 48 : i32
        %add3A_340 = vector.broadcast %add3A_339 : i32 to vector<16xi32>
        %add3A_341 = arith.addi %iota3A, %add3A_340 : vector<16xi32>
        tpu.vector_store_idx %arg12[%broadcast_in_dim3A, %add3A_341], %gather3A_338 masked %lt3A_10 : memref<50x50xf32, #tpu.memory_space<vmem>>[vector<16xi32>, vector<16xi32>], vector<16xf32>, vector<16xi1>
      }
      %scan3A_258 = arith.constant 50 : i32
      %mul3A_259 = arith.constant 4 : i32
      %mul3A_260 = arith.muli %add3A_192, %mul3A_259 : i32
      %add3A_261 = arith.addi %mul3A_6, %mul3A_260 : i32
      %add3A_262 = arith.constant 2 : i32
      %add3A_263 = arith.addi %add3A_261, %add3A_262 : i32
      %dma_start3A_264 = arith.constant 0 : i32
      %dma_start3A_265 = arith.constant 0 : i32
      %dma_start3A_266 = tpu.memref_slice %arg5[%add3A_263, %dma_start3A_264, %dma_start3A_265] : memref<16384x50x50xf32, #tpu.memory_space<hbm>> -> memref<1x50x50xf32, #tpu.memory_space<hbm>>
      %dma_start3A_267 = tpu.memref_squeeze %dma_start3A_266 : memref<1x50x50xf32, #tpu.memory_space<hbm>> -> memref<50x50xf32, #tpu.memory_space<hbm>>
      %dma_start3A_268 = arith.constant 0 : i32
      %dma_start3A_269 = arith.constant 0 : i32
      %dma_start3A_270 = tpu.memref_slice %arg5[%add3A_263, %dma_start3A_268, %dma_start3A_269] : memref<16384x50x50xf32, #tpu.memory_space<hbm>> -> memref<1x50x50xf32, #tpu.memory_space<hbm>>
      %dma_start3A_271 = tpu.memref_squeeze %dma_start3A_270 : memref<1x50x50xf32, #tpu.memory_space<hbm>> -> memref<50x50xf32, #tpu.memory_space<hbm>>
      tpu.enqueue_dma source(%arg12 : memref<50x50xf32, #tpu.memory_space<vmem>>) target(%dma_start3A_271 : memref<50x50xf32, #tpu.memory_space<hbm>>) target_semaphore(%arg18 : memref<!tpu.dma_semaphore, #tpu.memory_space<semaphore_mem>>)
      %mul3A_272 = arith.constant 4 : i32
      %mul3A_273 = arith.muli %add3A_192, %mul3A_272 : i32
      %add3A_274 = arith.addi %mul3A_6, %mul3A_273 : i32
      %add3A_275 = arith.constant 1 : i32
      %add3A_276 = arith.addi %add3A_274, %add3A_275 : i32
      %dma_wait3A_277 = arith.constant 0 : i32
      %dma_wait3A_278 = arith.constant 0 : i32
      %dma_wait3A_279 = tpu.memref_slice %arg5[%add3A_276, %dma_wait3A_277, %dma_wait3A_278] : memref<16384x50x50xf32, #tpu.memory_space<hbm>> -> memref<1x50x50xf32, #tpu.memory_space<hbm>>
      %dma_wait3A_280 = tpu.memref_squeeze %dma_wait3A_279 : memref<1x50x50xf32, #tpu.memory_space<hbm>> -> memref<50x50xf32, #tpu.memory_space<hbm>>
      %dma_wait3A_281 = arith.constant 0 : i32
      %dma_wait3A_282 = arith.constant 0 : i32
      %dma_wait3A_283 = tpu.memref_slice %arg5[%add3A_276, %dma_wait3A_281, %dma_wait3A_282] : memref<16384x50x50xf32, #tpu.memory_space<hbm>> -> memref<1x50x50xf32, #tpu.memory_space<hbm>>
      %dma_wait3A_284 = tpu.memref_squeeze %dma_wait3A_283 : memref<1x50x50xf32, #tpu.memory_space<hbm>> -> memref<50x50xf32, #tpu.memory_space<hbm>>
      tpu.wait_dma2 semaphore(%arg19 : memref<!tpu.dma_semaphore, #tpu.memory_space<semaphore_mem>>) src(%arg13 : memref<50x50xf32, #tpu.memory_space<vmem>>) dst(%dma_wait3A_284 : memref<50x50xf32, #tpu.memory_space<hbm>>)
      %scan3A_285 = arith.constant 0 : i32
      %scan3A_286 = arith.constant 50 : i32
      %scan3A_287 = arith.addi %scan3A_285, %scan3A_286 : i32
      %scan3A_288 = arith.constant 1 : i32
      scf.for %scan3A_303 = %scan3A_285 to %scan3A_287 step %scan3A_288  : i32 {
        %mul3A_304 = arith.constant 1 : i32
        %mul3A_305 = arith.muli %scan3A_303, %mul3A_304 : i32
        %add3A_306 = arith.constant 0 : i32
        %add3A_307 = arith.addi %add3A_306, %mul3A_305 : i32
        %mul3A_308 = arith.constant 50 : i32
        %mul3A_309 = arith.muli %add3A_307, %mul3A_308 : i32
        %add3A_310 = arith.constant 7500 : i32
        %add3A_311 = arith.addi %add3A_310, %mul3A_309 : i32
        %add3A_312 = arith.constant 0 : i32
        %add3A_313 = arith.addi %add3A_311, %add3A_312 : i32
        %add3A_314 = vector.broadcast %add3A_313 : i32 to vector<16xi32>
        %add3A_315 = arith.addi %iota3A, %add3A_314 : vector<16xi32>
        %gather3A = tpu.vector_load_idx %arg11[%add3A_315] : memref<10016xf32, #tpu.memory_space<vmem>>[vector<16xi32>], vector<16xf32>,
        %swap3A = arith.index_cast %add3A_307 : i32 to index
        %swap3A_316 = arith.constant 0 : index
        %swap3A_317 = tpu.vector_load %arg13[%swap3A, %swap3A_316] {strides = array<i32>} : memref<50x50xf32, #tpu.memory_space<vmem>>, vector<16xf32>,
        tpu.vector_store %arg13[%swap3A, %swap3A_316], %gather3A {strides = array<i32>} : memref<50x50xf32, #tpu.memory_space<vmem>>, vector<16xf32>,
        %add3A_318 = arith.constant 16 : i32
        %add3A_319 = arith.addi %add3A_311, %add3A_318 : i32
        %add3A_320 = vector.broadcast %add3A_319 : i32 to vector<16xi32>
        %add3A_321 = arith.addi %iota3A, %add3A_320 : vector<16xi32>
        %gather3A_322 = tpu.vector_load_idx %arg11[%add3A_321] : memref<10016xf32, #tpu.memory_space<vmem>>[vector<16xi32>], vector<16xf32>,
        %swap3A_323 = arith.index_cast %add3A_307 : i32 to index
        %swap3A_324 = arith.constant 16 : index
        %swap3A_325 = tpu.vector_load %arg13[%swap3A_323, %swap3A_324] {strides = array<i32>} : memref<50x50xf32, #tpu.memory_space<vmem>>, vector<16xf32>,
        tpu.vector_store %arg13[%swap3A_323, %swap3A_324], %gather3A_322 {strides = array<i32>} : memref<50x50xf32, #tpu.memory_space<vmem>>, vector<16xf32>,
        %add3A_326 = arith.constant 32 : i32
        %add3A_327 = arith.addi %add3A_311, %add3A_326 : i32
        %add3A_328 = vector.broadcast %add3A_327 : i32 to vector<16xi32>
        %add3A_329 = arith.addi %iota3A, %add3A_328 : vector<16xi32>
        %gather3A_330 = tpu.vector_load_idx %arg11[%add3A_329] : memref<10016xf32, #tpu.memory_space<vmem>>[vector<16xi32>], vector<16xf32>,
        %swap3A_331 = arith.index_cast %add3A_307 : i32 to index
        %swap3A_332 = arith.constant 32 : index
        %swap3A_333 = tpu.vector_load %arg13[%swap3A_331, %swap3A_332] {strides = array<i32>} : memref<50x50xf32, #tpu.memory_space<vmem>>, vector<16xf32>,
        tpu.vector_store %arg13[%swap3A_331, %swap3A_332], %gather3A_330 {strides = array<i32>} : memref<50x50xf32, #tpu.memory_space<vmem>>, vector<16xf32>,
        %add3A_334 = arith.constant 48 : i32
        %add3A_335 = arith.addi %add3A_311, %add3A_334 : i32
        %add3A_336 = vector.broadcast %add3A_335 : i32 to vector<16xi32>
        %add3A_337 = arith.addi %iota3A, %add3A_336 : vector<16xi32>
        %gather3A_338 = tpu.vector_load_idx %arg11[%add3A_337] masked %lt3A_10 : memref<10016xf32, #tpu.memory_space<vmem>>[vector<16xi32>], vector<16xf32>, vector<16xi1>
        %broadcast_in_dim3A = vector.broadcast %add3A_307 : i32 to vector<16xi32>
        %add3A_339 = arith.constant 48 : i32
        %add3A_340 = vector.broadcast %add3A_339 : i32 to vector<16xi32>
        %add3A_341 = arith.addi %iota3A, %add3A_340 : vector<16xi32>
        tpu.vector_store_idx %arg13[%broadcast_in_dim3A, %add3A_341], %gather3A_338 masked %lt3A_10 : memref<50x50xf32, #tpu.memory_space<vmem>>[vector<16xi32>, vector<16xi32>], vector<16xf32>, vector<16xi1>
      }
      %scan3A_289 = arith.constant 50 : i32
      %mul3A_290 = arith.constant 4 : i32
      %mul3A_291 = arith.muli %add3A_192, %mul3A_290 : i32
      %add3A_292 = arith.addi %mul3A_6, %mul3A_291 : i32
      %add3A_293 = arith.constant 3 : i32
      %add3A_294 = arith.addi %add3A_292, %add3A_293 : i32
      %dma_start3A_295 = arith.constant 0 : i32
      %dma_start3A_296 = arith.constant 0 : i32
      %dma_start3A_297 = tpu.memref_slice %arg5[%add3A_294, %dma_start3A_295, %dma_start3A_296] : memref<16384x50x50xf32, #tpu.memory_space<hbm>> -> memref<1x50x50xf32, #tpu.memory_space<hbm>>
      %dma_start3A_298 = tpu.memref_squeeze %dma_start3A_297 : memref<1x50x50xf32, #tpu.memory_space<hbm>> -> memref<50x50xf32, #tpu.memory_space<hbm>>
      %dma_start3A_299 = arith.constant 0 : i32
      %dma_start3A_300 = arith.constant 0 : i32
      %dma_start3A_301 = tpu.memref_slice %arg5[%add3A_294, %dma_start3A_299, %dma_start3A_300] : memref<16384x50x50xf32, #tpu.memory_space<hbm>> -> memref<1x50x50xf32, #tpu.memory_space<hbm>>
      %dma_start3A_302 = tpu.memref_squeeze %dma_start3A_301 : memref<1x50x50xf32, #tpu.memory_space<hbm>> -> memref<50x50xf32, #tpu.memory_space<hbm>>
      tpu.enqueue_dma source(%arg13 : memref<50x50xf32, #tpu.memory_space<vmem>>) target(%dma_start3A_302 : memref<50x50xf32, #tpu.memory_space<hbm>>) target_semaphore(%arg19 : memref<!tpu.dma_semaphore, #tpu.memory_space<semaphore_mem>>)
    }
    %scan3A_24 = arith.constant 64 : i32
    %add3A_25 = arith.constant 508 : i32
    %add3A_26 = arith.addi %mul3A_6, %add3A_25 : i32
    %add3A_27 = arith.constant 2 : i32
    %add3A_28 = arith.addi %add3A_26, %add3A_27 : i32
    %dma_wait3A = arith.constant 0 : i32
    %dma_wait3A_29 = arith.constant 0 : i32
    %dma_wait3A_30 = tpu.memref_slice %arg5[%add3A_28, %dma_wait3A, %dma_wait3A_29] : memref<16384x50x50xf32, #tpu.memory_space<hbm>> -> memref<1x50x50xf32, #tpu.memory_space<hbm>>
    %dma_wait3A_31 = tpu.memref_squeeze %dma_wait3A_30 : memref<1x50x50xf32, #tpu.memory_space<hbm>> -> memref<50x50xf32, #tpu.memory_space<hbm>>
    %dma_wait3A_32 = arith.constant 0 : i32
    %dma_wait3A_33 = arith.constant 0 : i32
    %dma_wait3A_34 = tpu.memref_slice %arg5[%add3A_28, %dma_wait3A_32, %dma_wait3A_33] : memref<16384x50x50xf32, #tpu.memory_space<hbm>> -> memref<1x50x50xf32, #tpu.memory_space<hbm>>
    %dma_wait3A_35 = tpu.memref_squeeze %dma_wait3A_34 : memref<1x50x50xf32, #tpu.memory_space<hbm>> -> memref<50x50xf32, #tpu.memory_space<hbm>>
    tpu.wait_dma2 semaphore(%arg18 : memref<!tpu.dma_semaphore, #tpu.memory_space<semaphore_mem>>) src(%arg12 : memref<50x50xf32, #tpu.memory_space<vmem>>) dst(%dma_wait3A_35 : memref<50x50xf32, #tpu.memory_space<hbm>>)
    %add3A_36 = arith.constant 508 : i32
    %add3A_37 = arith.addi %mul3A_6, %add3A_36 : i32
    %add3A_38 = arith.constant 3 : i32
    %add3A_39 = arith.addi %add3A_37, %add3A_38 : i32
    %dma_wait3A_40 = arith.constant 0 : i32
    %dma_wait3A_41 = arith.constant 0 : i32
    %dma_wait3A_42 = tpu.memref_slice %arg5[%add3A_39, %dma_wait3A_40, %dma_wait3A_41] : memref<16384x50x50xf32, #tpu.memory_space<hbm>> -> memref<1x50x50xf32, #tpu.memory_space<hbm>>
    %dma_wait3A_43 = tpu.memref_squeeze %dma_wait3A_42 : memref<1x50x50xf32, #tpu.memory_space<hbm>> -> memref<50x50xf32, #tpu.memory_space<hbm>>
    %dma_wait3A_44 = arith.constant 0 : i32
    %dma_wait3A_45 = arith.constant 0 : i32
    %dma_wait3A_46 = tpu.memref_slice %arg5[%add3A_39, %dma_wait3A_44, %dma_wait3A_45] : memref<16384x50x50xf32, #tpu.memory_space<hbm>> -> memref<1x50x50xf32, #tpu.memory_space<hbm>>
    %dma_wait3A_47 = tpu.memref_squeeze %dma_wait3A_46 : memref<1x50x50xf32, #tpu.memory_space<hbm>> -> memref<50x50xf32, #tpu.memory_space<hbm>>
    tpu.wait_dma2 semaphore(%arg19 : memref<!tpu.dma_semaphore, #tpu.memory_space<semaphore_mem>>) src(%arg13 : memref<50x50xf32, #tpu.memory_space<vmem>>) dst(%dma_wait3A_47 : memref<50x50xf32, #tpu.memory_space<hbm>>)
    return
  }
}

</mosaic_0001>

<sc_bundles>
// kernel: kernel.3.cloned.1.call-start
scs
__scs_entry_jumppad:
0x0: {  	(pc) =	sbr.rel $0x88, $3  }
0x1: {  	(tag) =	ssettag $0x0;
	lr =	simm.s32 $0x1  }
0x2: {  	[smem:$0x3F9F] =	sst lr;
	_ =	strace $0xD0000000  }
0x3: {  	_ = 	snop  }
0x4: {  	_ = 	snop  }
0x5: {  	_ = 	snop  }
0x6: {  	_ = 	snop  }
0x7: {  	_ = 	snop  }
__scs_overlays_trampoline_lowered:
0x8: {  	[smem:$0x3FAE] =	sst s0  }
0x9: {  	[smem:$0x3FAF] =	sst s1  }
0xa: {  	[smem:$0x3FB0] =	sst s2  }
0xb: {  	[smem:$0x3FB1] =	sst s3  }
0xc: {  	[smem:$0x3FB2] =	sst s4  }
0xd: {  	[smem:$0x3FB3] =	sst s5  }
0xe: {  	[smem:$0x3FB4] =	sst s6  }
0xf: {  	[smem:$0x3FB5] =	sst s7  }
0x10: {  	[smem:$0x3FB6] =	sst s8  }
0x11: {  	[smem:$0x3FB7] =	sst s9;
	s0 =	simm.s32 @!p0 $0x0  }
0x12: {  	s1 =	sld [smem:$0x3F9D];
	s0 =	simm.s32 @p0 $0x1  }
0x13: {  	[smem:$0x3FB8] =	sst s0;
	s0 =	simm.s32 @!p1 $0x0  }
0x14: {  	s2 =	sld [smem:$0x3F9C];
	s0 =	simm.s32 @p1 $0x1  }
0x15: {  	[smem:$0x3FB9] =	sst s0;
	s0 =	simm.s32 @!p2 $0x0  }
0x16: {  	s3 =	sld [smem:$0x3FDB];
	s0 =	simm.s32 @p2 $0x1  }
0x17: {  	s4 =	simm.s32 $0x1BF5;
	[smem:$0x3FBB] =	sst s0  }
0x18: {  	s0 =	sld [smem:$0x3F9E];
	_ =	swait.ge [sflag:s4], $0x0  }
0x19: {  	s7 =	sld [smem:$0x3F9F]  }
0x1a: {  	s8 =	sadd.s32 $0xFFFFE003, lr  }
0x1b: {  	s9 =	sadd.s32 $0xFFFFFEF7, lr;
	s5 =	simm.s32 $0xFFFFFFFF;
	p2 =	slt.u32 s8, $0xFFFFF086  }
0x1c: {  	p1 =	slt.u32 s9, $0xF7A;
	s5 =	simm.s32 @!p2 $0x0  }
0x1d: {  	s5 =	simm.s32 @p1 $0x1;
	p0 =	seq.s32 s7, s2  }
0x1e: {  	s7 =	smul.u32 @!p0 $0xF7A, s2;
	p2 =	seq.s32 @!p0 s5, $0x0  }
0x1f: {  	s9 =	smul.u32 $0xF7A, s1;
	s8 =	simm.s32 @!p0 $0x1BF5;
	p2 =	por !p2, p0  }
0x20: {  	[sflag:s8] =	ssyncset.s32 @!p0 $0xFFFFF086;
	s6 =	sadd.s32 @!p0 s3, s7;
	s7 =	simm.s32 @!p0 $0x108  }
0x21: {  	s3 =	sadd.s32 s3, s9;
	s6 =	sadd.s32 @!p0 $0x88, s6;
	s7 =	simm.s32 @p2 $0x1082  }
0x22: {  	[simem:s7], [sflag:s8] =	dma.local @!p0 [hbm:s6], $0xF7A  }
0x23: {  	s9 =	sor.u32 $0xD0000000, s2;
	s6 =	simm.s32 $0x108;
	_ =	swait.ge @!p0 [sflag:s8], $0x0  }
0x24: {  	s3 =	sadd.s32 $0x88, s3;
	s6 =	simm.s32 @!p1 $0x1082;
	[sflag:s4] =	ssyncset.s32 $0xFFFFF086  }
0x25: {  	[simem:s6], [sflag:s4] =	dma.local [hbm:s3], $0xF7A  }
0x26: {  	[smem:$0x3F9F] =	sst s1;
	(tag) =	ssettag s2;
	_ =	strace s9  }
0x27: {  	s1 =	sld [smem:$0x3FAF]  }
0x28: {  	s2 =	sld [smem:$0x3FB0]  }
0x29: {  	s4 =	sld [smem:$0x3FB2]  }
0x2a: {  	p0 =	seq.s32 s5, $0x0;
	s5 =	sld [smem:$0x3FB3]  }
0x2b: {  	s6 =	sld [smem:$0x3FB4]  }
0x2c: {  	s7 =	sld [smem:$0x3FB5]  }
0x2d: {  	s3 =	simm.s32 $0x108;
	s8 =	sld [smem:$0x3FB6]  }
0x2e: {  	s3 =	simm.s32 @!p0 $0x1082;
	s9 =	sld [smem:$0x3FB7]  }
0x2f: {  	lr =	sadd.s32 s0, s3;
	s0 =	sld [smem:$0x3FAE]  }
0x30: {  	s3 =	sld [smem:$0x3FB1]  }
0x31: {  	[smem:$0x3FBA] =	sst s10  }
0x32: {  	s10 =	sld [smem:$0x3FB8];
	_ =	sdelay $0x3  }
0x33: {  	p0 =	seq.s32 s10, $0x1;
	s10 =	sld [smem:$0x3FBA];
	_ =	sdelay $0x3  }
0x34: {  	[smem:$0x3FBA] =	sst s10  }
0x35: {  	s10 =	sld [smem:$0x3FB9];
	_ =	sdelay $0x3  }
0x36: {  	p1 =	seq.s32 s10, $0x1;
	s10 =	sld [smem:$0x3FBA];
	_ =	sdelay $0x3  }
0x37: {  	[smem:$0x3FBA] =	sst s10  }
0x38: {  	s10 =	sld [smem:$0x3FBB]  }
0x39: {  	_ = 	snop;
	(pc) =	sbr.ind lr, $3  }
0x3a: {  	_ = 	snop  }
0x3b: {  	_ = 	snop  }
0x3c: {  	p2 =	seq.s32 s10, $0x1;
	s10 =	sld [smem:$0x3FBA]  }
0x3d: {  	_ =	shalt  }
0x3e: {  	_ =	shalt  }
0x3f: {  	_ =	shalt  }
0x40: {  	_ =	shalt  }
0x41: {  	_ =	shalt  }
0x42: {  	_ =	shalt  }
0x43: {  	_ =	shalt  }
0x44: {  	_ =	shalt  }
0x45: {  	_ =	shalt  }
0x46: {  	_ =	shalt  }
0x47: {  	_ =	shalt  }
0x48: {  	_ =	shalt  }
0x49: {  	_ =	shalt  }
0x4a: {  	_ =	shalt  }
0x4b: {  	_ =	shalt  }
0x4c: {  	_ =	shalt  }
0x4d: {  	_ =	shalt  }
0x4e: {  	_ =	shalt  }
0x4f: {  	_ =	shalt  }
0x50: {  	_ =	shalt  }
0x51: {  	_ =	shalt  }
0x52: {  	_ =	shalt  }
0x53: {  	_ =	shalt  }
0x54: {  	_ =	shalt  }
0x55: {  	_ =	shalt  }
0x56: {  	_ =	shalt  }
0x57: {  	_ =	shalt  }
0x58: {  	_ =	shalt  }
0x59: {  	_ =	shalt  }
0x5a: {  	_ =	shalt  }
0x5b: {  	_ =	shalt  }
0x5c: {  	_ =	shalt  }
0x5d: {  	_ =	shalt  }
0x5e: {  	_ =	shalt  }
0x5f: {  	_ =	shalt  }
0x60: {  	_ =	shalt  }
0x61: {  	_ =	shalt  }
0x62: {  	_ =	shalt  }
0x63: {  	_ =	shalt  }
0x64: {  	_ =	shalt  }
0x65: {  	_ =	shalt  }
0x66: {  	_ =	shalt  }
0x67: {  	_ =	shalt  }
0x68: {  	_ =	shalt  }
0x69: {  	_ =	shalt  }
0x6a: {  	_ =	shalt  }
0x6b: {  	_ =	shalt  }
0x6c: {  	_ =	shalt  }
0x6d: {  	_ =	shalt  }
0x6e: {  	_ =	shalt  }
0x6f: {  	_ =	shalt  }
0x70: {  	_ =	shalt  }
0x71: {  	_ =	shalt  }
0x72: {  	_ =	shalt  }
0x73: {  	_ =	shalt  }
0x74: {  	_ =	shalt  }
0x75: {  	_ =	shalt  }
0x76: {  	_ =	shalt  }
0x77: {  	_ =	shalt  }
0x78: {  	_ =	shalt  }
0x79: {  	_ =	shalt  }
0x7a: {  	_ =	shalt  }
0x7b: {  	_ =	shalt  }
0x7c: {  	_ =	shalt  }
0x7d: {  	_ =	shalt  }
0x7e: {  	_ =	shalt  }
0x7f: {  	_ =	shalt  }
0x80: {  	_ =	shalt  }
0x81: {  	_ =	shalt  }
0x82: {  	_ =	shalt  }
0x83: {  	_ =	shalt  }
0x84: {  	_ =	shalt  }
0x85: {  	_ =	shalt  }
0x86: {  	_ =	shalt  }
0x87: {  	_ =	shalt  }
.Lfunc_end0:
.L_simem_size_0:
called_computation_lowered:
.L_overlay_start_0:
0x88: {  	s2 =	sld [smem:$0x3FD9]  }
0x89: {  	s3 =	sld [smem:$0x3FFE];
	_ =	sdelay $0x1  }
0x8a: {  	s1 =	srdreg.scid  }
0x8b: {  	s0 =	sand.u32 $0x1, s1  }
0x8c: {  	s17 =	sshll.u32 s0, $0xA;
	s2 =	sadd.s32 s3, s2  }
0x8d: {  	s2 =	sadd.s32 s2, s17  }
0x8e: {  	[smem:$0x3FC6] =	sst s2  }
0x8f: {  	_ = 	snop  }
0x90: {  	s2 =	sld [smem:$0x3FD0];
	(tm) =	ssettm $0x1  }
0x91: {  	s18 =	sld [smem:$0x3FFB];
	_ =	sdelay $0x3  }
0x92: {  	_ =	strace s18  }
0x93: {  	s3 =	sld [smem:$0x3FFC];
	_ =	sdelay $0x3  }
0x94: {  	_ =	strace s3  }
0x95: {  	s3 =	sld [smem:$0x3FFD];
	_ =	sdelay $0x3  }
0x96: {  	_ =	strace s3  }
0x97: {  	_ =	strace $0x8FFFFFFF  }
0x98: {  	s19 =	sld [smem:$0x3FDB];
	_ =	sdelay $0x1  }
0x99: {  	s4 =	simm.s32 $_scs_section_size  }
0x9a: {  	s5 =	simm.s32 $_size__tile_overlayer_lowered;
	s6 =	simm.s32 $_tile_overlayer_lowered  }
0x9b: {  	s22 =	simm.s32 $0x1BFF;
	s21 =	sshll.u32 s6, $0x1;
	s3 =	sadd.s32 s4, s19  }
0x9c: {  	s7 =	simm.s32 $0x0;
	s20 =	sshll.u32 s5, $0x1;
	s5 =	sadd.s32 s21, s3  }
0x9d: {  	[timem:s7], [sflag:s22] =	dma.local [hbm:s5], s20  }
0x9e: {  	_ =	swait.ge [sflag:s22], s20  }
0x9f: {  	s4 =	ssub.s32 $0x0, s20;
	[sflag:s22] =	ssyncset.done $0x0  }
0xa0: {  	[sflag:s22] =	ssyncadd.s32 s4;
	_ =	sdelay $0x1  }
0xa1: {  	s23 =	simm.s32 $0x1B8B  }
0xa2: {  	_ =	swait.ge [sflag:s23], $0x1  }
0xa3: {  	[sflag:s23] =	ssyncset.done $0x0  }
0xa4: {  	s25 =	simm.s32 $0x1B8E;
	s24 =	sld [smem:$0x3FFE];
	[sflag:s23] =	ssyncadd.s32 $0xFFFFFFFF  }
0xa5: {  	s26 =	simm.s32 $execute0_lowered;
	[smem:$0x3FD2] =	sst s25  }
0xa6: {  	s5 =	sshll.u32 s26, $0x1;
	_ =	strace $0x80000046;
	[dreg:$0x1] =	wrdreg $0xFFFFFFFF  }
0xa7: {  	s28 =	simm.s32 $_size_execute0_lowered;
	s3 =	sadd.s32 s3, s5;
	[dreg:$0x0] =	wrdreg $0x0  }
0xa8: {  	s5 =	sshll.u32 s28, $0x1;
	[dreg:$0x2] =	wrdreg s3  }
0xa9: {  	[dreg:$0x3] =	wrdreg s5  }
0xaa: {  	[dreg:$0x4] =	wrdreg $0xC0  }
0xab: {  	_ =	task [dreg:s7], $0x5FFFF  }
0xac: {  	[dreg:$0x1] =	wrdreg $0xFFFFFFFF  }
0xad: {  	[dreg:$0x0] =	wrdreg $0x60  }
0xae: {  	[dreg:$0x2] =	wrdreg s2  }
0xaf: {  	[dreg:$0x3] =	wrdreg s24  }
0xb0: {  	[dreg:$0x4] =	wrdreg $0xFE800  }
0xb1: {  	[dreg:$0x5] =	wrdreg $0x9  }
0xb2: {  	_ =	task.clear_ibuf [dreg:s7], $0x6FFFF;
	_ =	strace $0x90000046  }
0xb3: {  	s29 =	simm.s32 $0x9;
	_ =	strace $0x80000048  }
0xb4: {  	_ =	swait.ge [sflag:s29], $0x1  }
0xb5: {  	[sflag:s29] =	ssyncadd.s32 $0xFFFFFFFF  }
0xb6: {  	_ =	strace $0x90000048  }
0xb7: {  	_ =	sfence  }
0xb8: {  	s30 =	sld [smem:$0x0];
	_ =	sdelay $0x2  }
0xb9: {  	s31 =	sshll.u32 s1, $0xD;
	s1 =	sshrl.u32 s1, $0x2  }
0xba: {  	s3 =	sand.u32 $0x4000, s31;
	s1 =	sadd.s32 s1, s30  }
0xbb: {  	s0 =	sor.u32 s3, s0;
	s1 =	sshll.u32 s1, $0x11  }
0xbc: {  	s0 =	sor.u32 s1, s0  }
0xbd: {  	s0 =	sadd.s32 $0x8F2B, s0  }
0xbe: {  	[sflag:s0] =	ssyncadd.remote.s32 $0x1  }
0xbf: {  	_ =	sfence.sel $0xFFFF  }
0xc0: {  	[dreg:$0x0] =	wrdreg $0xFFFFFFFF;
	(pc) =	sbr.abs _section_cstart, $3  }
0xc1: {  	[dreg:$0x1] =	wrdreg $0xFFFFFFFF  }
0xc2: {  	_ =	task.clear_ibuf [dreg:s7], $0x2FFFF;
	_ =	strace $0x9FFFFFFF  }
0xc3: {  	(tm) =	ssettm $0x7FFFFFFF  }
tec
execute0_lowered:
.L_overlay_start_1:
0x0: {  	(tag) =	ssettag $0x1  }
0x1: {  	s0 =	rddreg [dreg:$0x1]  }
0x2: {  	s2 =	rddreg [dreg:$0x2]  }
0x3: {  	s1 =	srdreg.scid;
	s6 =	stileid.u32  }
0x4: {  	s3 =	simm.s32 $0x0;
	s15 =	simm.s32 $0x6;
	s16 =	simm.s32 $0x2710  }
0x5: {  	s17 =	simm.s32 $0x2880;
	s18 =	simm.s32 $0x7780;
	s19 =	simm.s32 $0x5000  }
0x6: {  	s20 =	simm.s32 $0x9F00;
	s21 =	simm.s32 $0x2;
	s22 =	simm.s32 $0xC680  }
0x7: {  	s23 =	simm.s32 $0xE280;
	s24 =	simm.s32 $0x4;
	s25 =	simm.s32 $0x5  }
0x8: {  	s26 =	simm.s32 $0x3;
	s28 =	simm.s32 $0x0;
	s1 =	sand.u32 $0x1, s1  }
0x9: {  	s4 =	sshll.u32 s6, $0x1;
	[smem:$0x7FF] =	sst s3;
	s5 =	sadd.s32 $0xC00, s0  }
0xa: {  	s7 =	sadd.s32 $0x600, s0;
	s10 =	sadd.s32 $0x19F80, s0;
	p0 =	sne.s32 s6, $0x0  }
0xb: {  	s8 =	sor.u32 s1, s4;
	_ =	strace $0x80000047;
	s1 =	ssub.s32 $0x2, s1  }
0xc: {  	[dreg:$0x4] =	wrdreg s7;
	s4 =	smul.u32 $0x6400, s8;
	s9 =	sshrl.u32 s1, $0x1  }
0xd: {  	s7 =	sadd.s32 $0x19C00, s0;
	s0 =	sshrl.u32 @!p0 s2, $0x3;
	s1 =	ssub.s32 s1, s9  }
0xe: {  	[dreg:$0x7] =	wrdreg s0;
	s30 =	sshrl.u32 s4, $0x3;
	s31 =	smax.u32 s1, $0x1  }
0xf: {  	v0 =	vlaneseq.u32;
	s29 =	simm.s32 $0x0;
	s9 =	sadd.s32 s5, s30;
	[dreg:$0x6] =	wrdreg s31  }
0x10: {  	v1 =	vor.u32 $0x30, v0;
	s8 =	sshll.u32 s8, $0x9;
	s11 =	sor.u32 $0x190, s4;
	[dreg:$0x5] =	wrdreg s9  }
.LBB2_1:
0x11: {  	s1 =	rddreg [dreg:$0x0]  }
0x12: {  	s0 =	simm.s32 @!p0 $0x1C01;
	s6 =	rddreg [dreg:$0x7]  }
0x13: {  	[spmem:s6], [sflag:s0] =	dma.local @!p0 [hbm:s1], $0x1E850  }
0x14: {  	s0 =	simm.s32 @!p0 $0x1  }
0x15: {  	_ =	swait.ge @!p0 [sflag:s0], $0x1E850  }
0x16: {  	[sflag:s0] =	ssyncset.done @!p0 $0x0  }
0x17: {  	s30 =	simm.s32 $0x100;
	s14 =	rddreg [dreg:$0x4];
	[sflag:s0] =	ssyncadd.s32 @!p0 $0xFFFE17B0  }
0x18: {  	[tilespmem:s30], [sflag:$0x6] =	stream.linear.gather [hbm4b:s14+s3], $0x2780, $0x38;
	[tilespmem:$0x1F2A8] =	vst v63  }
0x19: {  	_ =	swait.ge [sflag:s15], $0x2780  }
0x1a: {  	[sflag:s15] =	ssyncset.done $0x0  }
0x1b: {  	[sflag:s15] =	ssyncadd.s32 $0xFFFFD880  }
0x1c: {  	[bflag:$0x0] =	sbarrier.arrive $0xFFFF  }
0x1d: {  	s31 =	rddreg [dreg:$0x5]  }
0x1e: {  	[tilespmem:s3], [sflag:$0x6] =	stream.linear.gather [hbm4b:s31+s3], $0xC8, $0x38;
	[tilespmem:$0x1F2A8] =	vst v63  }
0x1f: {  	_ =	swait.ge [sflag:s15], $0xC8  }
0x20: {  	[sflag:s15] =	ssyncset.done $0x0  }
0x21: {  	s1 =	simm.s32 $0x0;
	[sflag:s15] =	ssyncadd.s32 $0xFFFFFF38  }
0x22: {  	v2 =	vld [tilespmem:s1+$0x100];
	_ =	sdelay $0x4  }
0x23: {  	v3 =	vshra.s32 v2, $0x8;
	_ =	sdelay $0x1  }
0x24: {  	v4 =	vand.u32 $0xFF, v2  }
0x25: {  	s0 =	simm.s32 $0x10  }
0x26: {  	s6 =	simm.s32 $0x80;
	v2 =	vld [tilespmem:s0+$0x100]  }
.LBB2_2:
0x27: {  	p1 =	sne.s32 s6, $0x9C00;
	v5 =	vld.idx.msk [tilespmem:v3+s3+$0x0], $0xffff;
	_ =	sdelay $0x1  }
0x28: {  	v6 =	vld.idx.msk [tilespmem:v4+s3+$0x0], $0xffff;
	_ =	sdelay $0x2  }
.Ltmp0:
0x29: {  	v3 =	vshra.s32 v2, $0x8;
	(pc) =	sbr.rel @p1 .LBB2_2-.Ltmp0, $4  }
0x2a: {  	v5 =	vmul.u32 $0x3E8, v5  }
0x2b: {  	v4 =	vand.u32 $0xFF, v2  }
0x2c: {  	s9 =	sshra.s32 s6, $0x2;
	v5 =	vadd.s32 v6, v5  }
0x2d: {  	s6 =	sadd.s32 $0x40, s6;
	v2 =	vld [tilespmem:s9+$0x100];
	[tilespmem:s1+$0x2880] =	vst v5;
	s1 =	smov.u32 s0;
	s0 =	smov.u32 s9  }
0x2e: {  	_ =	sdelay $0x3  }
0x2f: {  	v3 =	vld.idx.msk [tilespmem:v3+s3+$0x0], $0xffff;
	_ =	sdelay $0x1  }
0x30: {  	v4 =	vld.idx.msk [tilespmem:v4+s3+$0x0], $0xffff;
	_ =	sdelay $0x1  }
0x31: {  	v5 =	vshra.s32 v2, $0x8  }
0x32: {  	v3 =	vmul.u32 $0x3E8, v3  }
0x33: {  	v2 =	vand.u32 $0xFF, v2  }
0x34: {  	v3 =	vadd.s32 v4, v3  }
0x35: {  	[tilespmem:s1+$0x2880] =	vst v3  }
0x36: {  	v3 =	vld.idx.msk [tilespmem:v5+s3+$0x0], $0xffff;
	_ =	sdelay $0x1  }
0x37: {  	v2 =	vld.idx.msk [tilespmem:v2+s3+$0x0], $0xffff;
	_ =	sdelay $0x2  }
0x38: {  	v3 =	vmul.u32 $0x3E8, v3;
	_ =	sdelay $0x1  }
0x39: {  	v2 =	vadd.s32 v2, v3  }
0x3a: {  	s30 =	simm.s32 $0x0;
	[tilespmem:s0+$0x2880] =	vst v2  }
0x3b: {  	[tilespmem:s18], [sflag:$0x2] =	stream.indirect.gather [spmem:s2], $0x1, s17, s16, $0xb8;
	[tilespmem:$0x1F2A8] =	vst v63  }
.LBB2_4:
0x3c: {  	s31 =	sshllo.u32 s30, $0x1  }
0x3d: {  	s0 =	smul.u32 $0xC8, s31;
	_ =	sdelay $0x1  }
0x3e: {  	s0 =	sadd.s32 s4, s0  }
0x3f: {  	s0 =	sshrl.u32 s0, $0x3  }
0x40: {  	s0 =	sadd.s32 s5, s0  }
0x41: {  	[tilespmem:s29], [sflag:$0x6] =	stream.linear.gather [hbm4b:s0+s29], $0xC8, $0x38;
	[tilespmem:$0x1F2A8] =	vst v63  }
0x42: {  	_ =	swait.ge [sflag:s15], $0xC8  }
0x43: {  	[sflag:s15] =	ssyncset.done $0x0  }
0x44: {  	s1 =	simm.s32 $0x0;
	[sflag:s15] =	ssyncadd.s32 $0xFFFFFF38  }
0x45: {  	v2 =	vld [tilespmem:s1+$0x100];
	_ =	sdelay $0x4  }
0x46: {  	v3 =	vshra.s32 v2, $0x8;
	_ =	sdelay $0x1  }
0x47: {  	v4 =	vand.u32 $0xFF, v2  }
0x48: {  	s0 =	simm.s32 $0x10  }
0x49: {  	s6 =	simm.s32 $0x80;
	v2 =	vld [tilespmem:s0+$0x100]  }
.LBB2_5:
0x4a: {  	p1 =	sne.s32 s6, $0x9C00;
	v5 =	vld.idx.msk [tilespmem:v3+s3+$0x0], $0xffff;
	_ =	sdelay $0x1  }
0x4b: {  	v6 =	vld.idx.msk [tilespmem:v4+s3+$0x0], $0xffff;
	_ =	sdelay $0x2  }
.Ltmp1:
0x4c: {  	v3 =	vshra.s32 v2, $0x8;
	(pc) =	sbr.rel @p1 .LBB2_5-.Ltmp1, $4  }
0x4d: {  	v5 =	vmul.u32 $0x3E8, v5  }
0x4e: {  	v4 =	vand.u32 $0xFF, v2  }
0x4f: {  	s9 =	sshra.s32 s6, $0x2;
	v5 =	vadd.s32 v6, v5  }
0x50: {  	s6 =	sadd.s32 $0x40, s6;
	v2 =	vld [tilespmem:s9+$0x100];
	[tilespmem:s1+$0x5000] =	vst v5;
	s1 =	smov.u32 s0;
	s0 =	smov.u32 s9  }
0x51: {  	_ =	sdelay $0x3  }
0x52: {  	v3 =	vld.idx.msk [tilespmem:v3+s3+$0x0], $0xffff;
	_ =	sdelay $0x1  }
0x53: {  	v4 =	vld.idx.msk [tilespmem:v4+s3+$0x0], $0xffff;
	_ =	sdelay $0x1  }
0x54: {  	v5 =	vshra.s32 v2, $0x8  }
0x55: {  	v3 =	vmul.u32 $0x3E8, v3  }
0x56: {  	v2 =	vand.u32 $0xFF, v2  }
0x57: {  	v3 =	vadd.s32 v4, v3  }
0x58: {  	[tilespmem:s1+$0x5000] =	vst v3  }
0x59: {  	v3 =	vld.idx.msk [tilespmem:v5+s3+$0x0], $0xffff;
	_ =	sdelay $0x1  }
0x5a: {  	v2 =	vld.idx.msk [tilespmem:v2+s3+$0x0], $0xffff;
	_ =	sdelay $0x2  }
0x5b: {  	v3 =	vmul.u32 $0x3E8, v3;
	_ =	sdelay $0x1  }
0x5c: {  	v2 =	vadd.s32 v2, v3  }
0x5d: {  	[tilespmem:s0+$0x5000] =	vst v2  }
0x5e: {  	[tilespmem:s20], [sflag:$0x3] =	stream.indirect.gather [spmem:s2], $0x1, s19, s16, $0xb8;
	[tilespmem:$0x1F2A8] =	vst v63  }
0x5f: {  	s9 =	simm.s32 $0x0;
	_ =	swait.ge [sflag:s21], $0x2710  }
0x60: {  	p1 =	seq.s32 s30, $0x0;
	v2 =	vadd.s32 s9, v0;
	[sflag:s21] =	ssyncset.done $0x0  }
0x61: {  	s0 =	simm.s32 @!p1 $0x4;
	[sflag:s21] =	ssyncadd.s32 $0xFFFFD8F0  }
0x62: {  	_ =	swait.ge @!p1 [sflag:s0], $0x1900  }
0x63: {  	[sflag:s0] =	ssyncset.done @!p1 $0x0  }
0x64: {  	[sflag:s0] =	ssyncadd.s32 @!p1 $0xFFFFE700  }
0x65: {  	s12 =	simm.s32 $0x10;
	v2 =	vld.idx.msk [tilespmem:v2+s18+$0x0], $0xffff  }
0x66: {  	v3 =	vadd.s32 s12, v0;
	_ =	sdelay $0x2  }
0x67: {  	s0 =	simm.s32 $0xC690  }
0x68: {  	[tilespmem:s0+$0xFFFFFFF0] =	vst v2  }
0x69: {  	s13 =	simm.s32 $0x20;
	v2 =	vld.idx.msk [tilespmem:v3+s18+$0x0], $0xffff  }
0x6a: {  	v3 =	vadd.s32 s13, v0;
	_ =	sdelay $0x3  }
0x6b: {  	[tilespmem:s0+$0x0] =	vst v2  }
0x6c: {  	s14 =	simm.s32 $0x30;
	v2 =	vld.idx.msk [tilespmem:v3+s18+$0x0], $0xffff  }
0x6d: {  	v3 =	vadd.s32 s14, v0;
	_ =	sdelay $0x3  }
0x6e: {  	s9 =	simm.s32 $0x0;
	[tilespmem:s0+$0x10] =	vst v2  }
0x6f: {  	s6 =	simm.s32 $0x32;
	v2 =	vld.idx.msk [tilespmem:v3+s18+$0x0], $0x3;
	v3 =	vor.u32 s9, v1  }
0x70: {  	v4 =	vadd.s32 s6, v0;
	s1 =	simm.s32 $0x1;
	s9 =	simm.s32 $0x2  }
.LBB2_7:
0x71: {  	p2 =	sne.s32 s9, $0x31;
	_ =	sdelay $0x2  }
0x72: {  	[tilespmem:v3+s22+$0x0] =	vst.idx.msk $0x3, v2  }
0x73: {  	v2 =	vld.idx.msk [tilespmem:v4+s18+$0x0], $0xffff  }
0x74: {  	s12 =	sadd.s32 $0x10, s6  }
0x75: {  	v3 =	vadd.s32 s12, v0;
	_ =	sdelay $0x2  }
0x76: {  	s0 =	sadd.s32 $0x80, s0  }
0x77: {  	[tilespmem:s0+$0xFFFFFFF0] =	vst v2  }
0x78: {  	v2 =	vld.idx.msk [tilespmem:v3+s18+$0x0], $0xffff  }
0x79: {  	s12 =	sadd.s32 $0x20, s6  }
0x7a: {  	v3 =	vadd.s32 s12, v0;
	_ =	sdelay $0x3  }
0x7b: {  	[tilespmem:s0+$0x0] =	vst v2  }
0x7c: {  	v2 =	vld.idx.msk [tilespmem:v3+s18+$0x0], $0xffff  }
0x7d: {  	s12 =	sadd.s32 $0x30, s6  }
0x7e: {  	v3 =	vadd.s32 s12, v0;
	_ =	sdelay $0x2  }
.Ltmp2:
0x7f: {  	(pc) =	sbr.rel @p2 .LBB2_7-.Ltmp2, $4  }
0x80: {  	[tilespmem:s0+$0x10] =	vst v2  }
0x81: {  	s12 =	sshll.u32 s1, $0x7;
	s1 =	smov.u32 s9;
	v2 =	vld.idx.msk [tilespmem:v3+s18+$0x0], $0x3  }
0x82: {  	s6 =	sadd.s32 $0x32, s6;
	v3 =	vor.u32 s12, v1  }
0x83: {  	v4 =	vadd.s32 s6, v0;
	s9 =	sadd.s32 $0x1, s9  }
0x84: {  	_ =	sdelay $0x3  }
0x85: {  	[tilespmem:v3+s22+$0x0] =	vst.idx.msk $0x3, v2  }
0x86: {  	s9 =	sadd.s32 $0x10, s6;
	v2 =	vld.idx.msk [tilespmem:v4+s18+$0x0], $0xffff  }
0x87: {  	v3 =	vadd.s32 s9, v0;
	_ =	sdelay $0x2  }
0x88: {  	s0 =	sadd.s32 $0x80, s0  }
0x89: {  	[tilespmem:s0+$0xFFFFFFF0] =	vst v2  }
0x8a: {  	s13 =	sadd.s32 $0x20, s6;
	v2 =	vld.idx.msk [tilespmem:v3+s18+$0x0], $0xffff  }
0x8b: {  	v3 =	vadd.s32 s13, v0;
	_ =	sdelay $0x3  }
0x8c: {  	[tilespmem:s0+$0x0] =	vst v2  }
0x8d: {  	s14 =	sadd.s32 $0x30, s6;
	v2 =	vld.idx.msk [tilespmem:v3+s18+$0x0], $0xffff  }
0x8e: {  	v3 =	vadd.s32 s14, v0;
	_ =	sdelay $0x3  }
0x8f: {  	s9 =	sshll.u32 s1, $0x7;
	[tilespmem:s0+$0x10] =	vst v2  }
0x90: {  	v2 =	vld.idx.msk [tilespmem:v3+s18+$0x0], $0x3;
	v3 =	vor.u32 s9, v1  }
0x91: {  	s12 =	sshll.u32 s30, $0x3  }
0x92: {  	s0 =	sadd.s32 s8, s12  }
0x93: {  	s1 =	smul.u32 $0x380, s0  }
0x94: {  	s14 =	simm.s32 $0x9C4  }
0x95: {  	s6 =	simm.s32 @!p1 $0x5;
	s13 =	sadd.s32 s7, s1;
	[tilespmem:v3+s22+$0x0] =	vst.idx.msk $0x3, v2;
	v2 =	vadd.s32 s14, v0  }
0x96: {  	[hbm4b:s13+s3] =	stream.linear.scatter [tilespmem:s22], [sflag:$0x4], $0x1900, $0x38;
	[tilespmem:$0x1F2A8] =	vst v63  }
0x97: {  	_ =	swait.ge @!p1 [sflag:s6], $0x1900  }
0x98: {  	[sflag:s6] =	ssyncset.done @!p1 $0x0  }
0x99: {  	[sflag:s6] =	ssyncadd.s32 @!p1 $0xFFFFE700  }
0x9a: {  	s9 =	simm.s32 $0x9D4;
	v2 =	vld.idx.msk [tilespmem:v2+s18+$0x0], $0xffff  }
0x9b: {  	v3 =	vadd.s32 s9, v0;
	_ =	sdelay $0x2  }
0x9c: {  	s14 =	simm.s32 $0xE290  }
0x9d: {  	[tilespmem:s14+$0xFFFFFFF0] =	vst v2  }
0x9e: {  	s12 =	simm.s32 $0x9E4;
	v2 =	vld.idx.msk [tilespmem:v3+s18+$0x0], $0xffff  }
0x9f: {  	v3 =	vadd.s32 s12, v0;
	_ =	sdelay $0x3  }
0xa0: {  	[tilespmem:s14+$0x0] =	vst v2  }
0xa1: {  	s13 =	simm.s32 $0x9F4;
	v2 =	vld.idx.msk [tilespmem:v3+s18+$0x0], $0xffff  }
0xa2: {  	v3 =	vadd.s32 s13, v0;
	_ =	sdelay $0x3  }
0xa3: {  	s12 =	simm.s32 $0x0;
	[tilespmem:s14+$0x10] =	vst v2  }
0xa4: {  	s6 =	simm.s32 $0x9F6;
	v2 =	vld.idx.msk [tilespmem:v3+s18+$0x0], $0x3;
	v3 =	vor.u32 s12, v1  }
0xa5: {  	s9 =	simm.s32 $0x0;
	v4 =	vadd.s32 s6, v0;
	s12 =	simm.s32 $0xA28  }
.LBB2_9:
0xa6: {  	p1 =	sne.s32 s12, $0x1356;
	_ =	sdelay $0x2  }
0xa7: {  	[tilespmem:v3+s23+$0x0] =	vst.idx.msk $0x3, v2  }
0xa8: {  	v2 =	vld.idx.msk [tilespmem:v4+s18+$0x0], $0xffff  }
0xa9: {  	s13 =	sadd.s32 $0x10, s6  }
0xaa: {  	v3 =	vadd.s32 s13, v0;
	_ =	sdelay $0x2  }
0xab: {  	s14 =	sadd.s32 $0x80, s14  }
0xac: {  	[tilespmem:s14+$0xFFFFFFF0] =	vst v2  }
0xad: {  	v2 =	vld.idx.msk [tilespmem:v3+s18+$0x0], $0xffff  }
0xae: {  	s13 =	sadd.s32 $0x20, s6  }
0xaf: {  	v3 =	vadd.s32 s13, v0;
	_ =	sdelay $0x3  }
0xb0: {  	[tilespmem:s14+$0x0] =	vst v2  }
0xb1: {  	v2 =	vld.idx.msk [tilespmem:v3+s18+$0x0], $0xffff  }
0xb2: {  	s13 =	sadd.s32 $0x30, s6;
	s6 =	smov.u32 s12  }
0xb3: {  	v3 =	vadd.s32 s13, v0;
	_ =	sdelay $0x2  }
.Ltmp3:
0xb4: {  	(pc) =	sbr.rel @p1 .LBB2_9-.Ltmp3, $4  }
0xb5: {  	s9 =	sadd.s32 $0x1, s9;
	[tilespmem:s14+$0x10] =	vst v2  }
0xb6: {  	s13 =	sshll.u32 s9, $0x7;
	v2 =	vld.idx.msk [tilespmem:v3+s18+$0x0], $0x3  }
0xb7: {  	v3 =	vor.u32 s13, v1  }
0xb8: {  	s12 =	sadd.s32 $0x32, s12;
	v4 =	vadd.s32 s6, v0  }
0xb9: {  	_ =	sdelay $0x3  }
0xba: {  	[tilespmem:v3+s23+$0x0] =	vst.idx.msk $0x3, v2  }
0xbb: {  	s12 =	sadd.s32 $0x10, s6;
	v2 =	vld.idx.msk [tilespmem:v4+s18+$0x0], $0xffff  }
0xbc: {  	v3 =	vadd.s32 s12, v0;
	_ =	sdelay $0x2  }
0xbd: {  	s12 =	sadd.s32 $0x80, s14  }
0xbe: {  	[tilespmem:s12+$0xFFFFFFF0] =	vst v2  }
0xbf: {  	s13 =	sadd.s32 $0x20, s6;
	v2 =	vld.idx.msk [tilespmem:v3+s18+$0x0], $0xffff  }
0xc0: {  	v3 =	vadd.s32 s13, v0;
	_ =	sdelay $0x3  }
0xc1: {  	[tilespmem:s12+$0x0] =	vst v2  }
0xc2: {  	s14 =	sadd.s32 $0x30, s6;
	v2 =	vld.idx.msk [tilespmem:v3+s18+$0x0], $0xffff  }
0xc3: {  	v3 =	vadd.s32 s14, v0;
	_ =	sdelay $0x2  }
0xc4: {  	s9 =	sadd.s32 $0x1, s9  }
0xc5: {  	s6 =	sshll.u32 s9, $0x7;
	[tilespmem:s12+$0x10] =	vst v2  }
0xc6: {  	v2 =	vld.idx.msk [tilespmem:v3+s18+$0x0], $0x3;
	v3 =	vor.u32 s6, v1;
	_ =	sdelay $0x3  }
0xc7: {  	s12 =	simm.s32 $0x1388  }
0xc8: {  	s13 =	sadd.s32 s1, s10;
	s1 =	simm.s32 $0x0;
	[tilespmem:v3+s23+$0x0] =	vst.idx.msk $0x3, v2;
	v2 =	vadd.s32 s12, v0  }
0xc9: {  	[hbm4b:s13+s1] =	stream.linear.scatter [tilespmem:s23], [sflag:$0x5], $0x1900, $0x38;
	[tilespmem:$0x1F2A8] =	vst v63  }
0xca: {  	_ =	swait.ge [sflag:s24], $0x1900  }
0xcb: {  	[sflag:s24] =	ssyncset.done $0x0  }
0xcc: {  	[sflag:s24] =	ssyncadd.s32 $0xFFFFE700  }
0xcd: {  	s14 =	simm.s32 $0x1398;
	v2 =	vld.idx.msk [tilespmem:v2+s18+$0x0], $0xffff  }
0xce: {  	v3 =	vadd.s32 s14, v0;
	_ =	sdelay $0x2  }
0xcf: {  	s14 =	simm.s32 $0xC690  }
0xd0: {  	[tilespmem:s14+$0xFFFFFFF0] =	vst v2  }
0xd1: {  	s9 =	simm.s32 $0x13A8;
	v2 =	vld.idx.msk [tilespmem:v3+s18+$0x0], $0xffff  }
0xd2: {  	v3 =	vadd.s32 s9, v0;
	_ =	sdelay $0x3  }
0xd3: {  	[tilespmem:s14+$0x0] =	vst v2  }
0xd4: {  	s12 =	simm.s32 $0x13B8;
	v2 =	vld.idx.msk [tilespmem:v3+s18+$0x0], $0xffff  }
0xd5: {  	v3 =	vadd.s32 s12, v0;
	_ =	sdelay $0x3  }
0xd6: {  	s13 =	simm.s32 $0x0;
	[tilespmem:s14+$0x10] =	vst v2  }
0xd7: {  	s6 =	simm.s32 $0x13BA;
	v2 =	vld.idx.msk [tilespmem:v3+s18+$0x0], $0x3;
	v3 =	vor.u32 s13, v1  }
0xd8: {  	v4 =	vadd.s32 s6, v0;
	s9 =	simm.s32 $0x13EC  }
.LBB2_11:
0xd9: {  	p1 =	sne.s32 s9, $0x1D1A;
	_ =	sdelay $0x2  }
0xda: {  	[tilespmem:v3+s22+$0x0] =	vst.idx.msk $0x3, v2  }
0xdb: {  	v2 =	vld.idx.msk [tilespmem:v4+s18+$0x0], $0xffff  }
0xdc: {  	s12 =	sadd.s32 $0x10, s6  }
0xdd: {  	v3 =	vadd.s32 s12, v0;
	_ =	sdelay $0x2  }
0xde: {  	s14 =	sadd.s32 $0x80, s14  }
0xdf: {  	[tilespmem:s14+$0xFFFFFFF0] =	vst v2  }
0xe0: {  	v2 =	vld.idx.msk [tilespmem:v3+s18+$0x0], $0xffff  }
0xe1: {  	s12 =	sadd.s32 $0x20, s6  }
0xe2: {  	v3 =	vadd.s32 s12, v0;
	_ =	sdelay $0x3  }
0xe3: {  	[tilespmem:s14+$0x0] =	vst v2  }
0xe4: {  	v2 =	vld.idx.msk [tilespmem:v3+s18+$0x0], $0xffff  }
0xe5: {  	s12 =	sadd.s32 $0x30, s6;
	s6 =	smov.u32 s9  }
0xe6: {  	v3 =	vadd.s32 s12, v0;
	_ =	sdelay $0x2  }
.Ltmp4:
0xe7: {  	(pc) =	sbr.rel @p1 .LBB2_11-.Ltmp4, $4  }
0xe8: {  	s1 =	sadd.s32 $0x1, s1;
	[tilespmem:s14+$0x10] =	vst v2  }
0xe9: {  	s12 =	sshll.u32 s1, $0x7;
	v2 =	vld.idx.msk [tilespmem:v3+s18+$0x0], $0x3  }
0xea: {  	v3 =	vor.u32 s12, v1  }
0xeb: {  	s9 =	sadd.s32 $0x32, s9;
	v4 =	vadd.s32 s6, v0  }
0xec: {  	_ =	sdelay $0x3  }
0xed: {  	[tilespmem:v3+s22+$0x0] =	vst.idx.msk $0x3, v2  }
0xee: {  	s9 =	sadd.s32 $0x10, s6;
	v2 =	vld.idx.msk [tilespmem:v4+s18+$0x0], $0xffff  }
0xef: {  	v3 =	vadd.s32 s9, v0;
	_ =	sdelay $0x2  }
0xf0: {  	s13 =	sadd.s32 $0x80, s14  }
0xf1: {  	[tilespmem:s13+$0xFFFFFFF0] =	vst v2  }
0xf2: {  	s12 =	sadd.s32 $0x20, s6;
	v2 =	vld.idx.msk [tilespmem:v3+s18+$0x0], $0xffff  }
0xf3: {  	v3 =	vadd.s32 s12, v0;
	_ =	sdelay $0x3  }
0xf4: {  	[tilespmem:s13+$0x0] =	vst v2  }
0xf5: {  	s14 =	sadd.s32 $0x30, s6;
	v2 =	vld.idx.msk [tilespmem:v3+s18+$0x0], $0xffff  }
0xf6: {  	v3 =	vadd.s32 s14, v0;
	_ =	sdelay $0x2  }
0xf7: {  	s1 =	sadd.s32 $0x1, s1  }
0xf8: {  	s1 =	sshll.u32 s1, $0x7;
	[tilespmem:s13+$0x10] =	vst v2  }
0xf9: {  	v2 =	vld.idx.msk [tilespmem:v3+s18+$0x0], $0x3;
	v3 =	vor.u32 s1, v1  }
0xfa: {  	s0 =	smul.u32 $0x1C00, s0;
	_ =	sdelay $0x1  }
0xfb: {  	s0 =	sshrl.u32 s0, $0x3  }
0xfc: {  	s0 =	sadd.s32 s7, s0;
	s12 =	simm.s32 $0x1D4C  }
0xfd: {  	s13 =	sadd.s32 $0x700, s0;
	s1 =	simm.s32 $0x0;
	[tilespmem:v3+s22+$0x0] =	vst.idx.msk $0x3, v2;
	v2 =	vadd.s32 s12, v0  }
0xfe: {  	[hbm4b:s13+s1] =	stream.linear.scatter [tilespmem:s22], [sflag:$0x4], $0x1900, $0x38;
	[tilespmem:$0x1F2A8] =	vst v63  }
0xff: {  	_ =	swait.ge [sflag:s25], $0x1900  }
0x100: {  	[sflag:s25] =	ssyncset.done $0x0  }
0x101: {  	[sflag:s25] =	ssyncadd.s32 $0xFFFFE700  }
0x102: {  	s14 =	simm.s32 $0x1D5C;
	v2 =	vld.idx.msk [tilespmem:v2+s18+$0x0], $0xffff  }
0x103: {  	v3 =	vadd.s32 s14, v0;
	_ =	sdelay $0x2  }
0x104: {  	s14 =	simm.s32 $0xE290  }
0x105: {  	[tilespmem:s14+$0xFFFFFFF0] =	vst v2  }
0x106: {  	s9 =	simm.s32 $0x1D6C;
	v2 =	vld.idx.msk [tilespmem:v3+s18+$0x0], $0xffff  }
0x107: {  	v3 =	vadd.s32 s9, v0;
	_ =	sdelay $0x3  }
0x108: {  	[tilespmem:s14+$0x0] =	vst v2  }
0x109: {  	s12 =	simm.s32 $0x1D7C;
	v2 =	vld.idx.msk [tilespmem:v3+s18+$0x0], $0xffff  }
0x10a: {  	v3 =	vadd.s32 s12, v0;
	_ =	sdelay $0x3  }
0x10b: {  	s13 =	simm.s32 $0x0;
	[tilespmem:s14+$0x10] =	vst v2  }
0x10c: {  	s6 =	simm.s32 $0x1D7E;
	v2 =	vld.idx.msk [tilespmem:v3+s18+$0x0], $0x3;
	v3 =	vor.u32 s13, v1  }
0x10d: {  	v4 =	vadd.s32 s6, v0;
	s9 =	simm.s32 $0x1DB0  }
.LBB2_13:
0x10e: {  	p1 =	sne.s32 s9, $0x26DE;
	_ =	sdelay $0x2  }
0x10f: {  	[tilespmem:v3+s23+$0x0] =	vst.idx.msk $0x3, v2  }
0x110: {  	v2 =	vld.idx.msk [tilespmem:v4+s18+$0x0], $0xffff  }
0x111: {  	s12 =	sadd.s32 $0x10, s6  }
0x112: {  	v3 =	vadd.s32 s12, v0;
	_ =	sdelay $0x2  }
0x113: {  	s14 =	sadd.s32 $0x80, s14  }
0x114: {  	[tilespmem:s14+$0xFFFFFFF0] =	vst v2  }
0x115: {  	v2 =	vld.idx.msk [tilespmem:v3+s18+$0x0], $0xffff  }
0x116: {  	s12 =	sadd.s32 $0x20, s6  }
0x117: {  	v3 =	vadd.s32 s12, v0;
	_ =	sdelay $0x3  }
0x118: {  	[tilespmem:s14+$0x0] =	vst v2  }
0x119: {  	v2 =	vld.idx.msk [tilespmem:v3+s18+$0x0], $0xffff  }
0x11a: {  	s12 =	sadd.s32 $0x30, s6;
	s6 =	smov.u32 s9  }
0x11b: {  	v3 =	vadd.s32 s12, v0;
	_ =	sdelay $0x2  }
.Ltmp5:
0x11c: {  	(pc) =	sbr.rel @p1 .LBB2_13-.Ltmp5, $4  }
0x11d: {  	s1 =	sadd.s32 $0x1, s1;
	[tilespmem:s14+$0x10] =	vst v2  }
0x11e: {  	s12 =	sshll.u32 s1, $0x7;
	v2 =	vld.idx.msk [tilespmem:v3+s18+$0x0], $0x3  }
0x11f: {  	v3 =	vor.u32 s12, v1  }
0x120: {  	s9 =	sadd.s32 $0x32, s9;
	v4 =	vadd.s32 s6, v0  }
0x121: {  	_ =	sdelay $0x3  }
0x122: {  	[tilespmem:v3+s23+$0x0] =	vst.idx.msk $0x3, v2  }
0x123: {  	s9 =	sadd.s32 $0x10, s6;
	v2 =	vld.idx.msk [tilespmem:v4+s18+$0x0], $0xffff  }
0x124: {  	v3 =	vadd.s32 s9, v0;
	_ =	sdelay $0x2  }
0x125: {  	s13 =	sadd.s32 $0x80, s14  }
0x126: {  	[tilespmem:s13+$0xFFFFFFF0] =	vst v2  }
0x127: {  	s12 =	sadd.s32 $0x20, s6;
	v2 =	vld.idx.msk [tilespmem:v3+s18+$0x0], $0xffff  }
0x128: {  	v3 =	vadd.s32 s12, v0;
	_ =	sdelay $0x3  }
0x129: {  	[tilespmem:s13+$0x0] =	vst v2  }
0x12a: {  	s14 =	sadd.s32 $0x30, s6;
	v2 =	vld.idx.msk [tilespmem:v3+s18+$0x0], $0xffff  }
0x12b: {  	v3 =	vadd.s32 s14, v0;
	_ =	sdelay $0x2  }
0x12c: {  	s1 =	sadd.s32 $0x1, s1  }
0x12d: {  	s1 =	sshll.u32 s1, $0x7;
	[tilespmem:s13+$0x10] =	vst v2  }
0x12e: {  	v2 =	vld.idx.msk [tilespmem:v3+s18+$0x0], $0x3;
	v3 =	vor.u32 s1, v1  }
0x12f: {  	p1 =	seq.s32 s30, $0x3F  }
.Ltmp6:
0x130: {  	_ = 	snop;
	(pc) =	sbr.rel @p1 .LBB2_18-.Ltmp6, $3  }
0x131: {  	_ =	sdelay $0x1  }
0x132: {  	s0 =	sadd.s32 $0xA80, s0;
	[tilespmem:v3+s23+$0x0] =	vst.idx.msk $0x3, v2  }
0x133: {  	[hbm4b:s0+s3] =	stream.linear.scatter [tilespmem:s23], [sflag:$0x5], $0x1900, $0x38;
	[tilespmem:$0x1F2A8] =	vst v63  }
0x134: {  	s0 =	smul.u32 $0x190, s30;
	_ =	sdelay $0x1  }
0x135: {  	s0 =	sadd.s32 s0, s11  }
0x136: {  	s0 =	sshrl.u32 s0, $0x3  }
0x137: {  	s1 =	simm.s32 $0x0;
	s0 =	sadd.s32 s5, s0  }
0x138: {  	[tilespmem:s1], [sflag:$0x6] =	stream.linear.gather [hbm4b:s0+s1], $0xC8, $0x38;
	[tilespmem:$0x1F2A8] =	vst v63  }
0x139: {  	_ =	swait.ge [sflag:s15], $0xC8  }
0x13a: {  	[sflag:s15] =	ssyncset.done $0x0  }
0x13b: {  	s1 =	simm.s32 $0x0;
	[sflag:s15] =	ssyncadd.s32 $0xFFFFFF38  }
0x13c: {  	v2 =	vld [tilespmem:s1+$0x100];
	_ =	sdelay $0x4  }
0x13d: {  	v3 =	vshra.s32 v2, $0x8;
	_ =	sdelay $0x1  }
0x13e: {  	v4 =	vand.u32 $0xFF, v2  }
0x13f: {  	s0 =	simm.s32 $0x10  }
0x140: {  	s6 =	simm.s32 $0x80;
	v2 =	vld [tilespmem:s0+$0x100]  }
.LBB2_16:
0x141: {  	p1 =	sne.s32 s6, $0x9C00;
	v5 =	vld.idx.msk [tilespmem:v3+s3+$0x0], $0xffff;
	_ =	sdelay $0x1  }
0x142: {  	v6 =	vld.idx.msk [tilespmem:v4+s3+$0x0], $0xffff;
	_ =	sdelay $0x2  }
.Ltmp7:
0x143: {  	v3 =	vshra.s32 v2, $0x8;
	(pc) =	sbr.rel @p1 .LBB2_16-.Ltmp7, $4  }
0x144: {  	v5 =	vmul.u32 $0x3E8, v5  }
0x145: {  	v4 =	vand.u32 $0xFF, v2  }
0x146: {  	s9 =	sshra.s32 s6, $0x2;
	v5 =	vadd.s32 v6, v5  }
0x147: {  	s6 =	sadd.s32 $0x40, s6;
	v2 =	vld [tilespmem:s9+$0x100];
	[tilespmem:s1+$0x2880] =	vst v5;
	s1 =	smov.u32 s0;
	s0 =	smov.u32 s9  }
0x148: {  	_ =	sdelay $0x3  }
0x149: {  	v3 =	vld.idx.msk [tilespmem:v3+s3+$0x0], $0xffff;
	_ =	sdelay $0x1  }
0x14a: {  	v4 =	vld.idx.msk [tilespmem:v4+s3+$0x0], $0xffff;
	_ =	sdelay $0x1  }
0x14b: {  	v5 =	vshra.s32 v2, $0x8  }
0x14c: {  	v3 =	vmul.u32 $0x3E8, v3  }
0x14d: {  	v2 =	vand.u32 $0xFF, v2  }
0x14e: {  	v3 =	vadd.s32 v4, v3  }
0x14f: {  	[tilespmem:s1+$0x2880] =	vst v3  }
0x150: {  	v3 =	vld.idx.msk [tilespmem:v5+s3+$0x0], $0xffff;
	_ =	sdelay $0x1  }
0x151: {  	v2 =	vld.idx.msk [tilespmem:v2+s3+$0x0], $0xffff;
	_ =	sdelay $0x2  }
0x152: {  	v3 =	vmul.u32 $0x3E8, v3;
	_ =	sdelay $0x1  }
0x153: {  	v2 =	vadd.s32 v2, v3  }
0x154: {  	[tilespmem:s0+$0x2880] =	vst v2  }
0x155: {  	[tilespmem:s18], [sflag:$0x2] =	stream.indirect.gather [spmem:s2], $0x1, s17, s16, $0xb8;
	[tilespmem:$0x1F2A8] =	vst v63  }
.LBB2_18:
0x156: {  	_ =	swait.ge [sflag:s26], $0x2710;
	s0 =	simm.s32 $0x0  }
0x157: {  	[sflag:s26] =	ssyncset.done $0x0;
	v2 =	vadd.s32 s0, v0  }
0x158: {  	[sflag:s26] =	ssyncadd.s32 $0xFFFFD8F0  }
0x159: {  	_ =	swait.ge [sflag:s24], $0x1900  }
0x15a: {  	[sflag:s24] =	ssyncset.done $0x0  }
0x15b: {  	[sflag:s24] =	ssyncadd.s32 $0xFFFFE700  }
0x15c: {  	s13 =	simm.s32 $0x10;
	v2 =	vld.idx.msk [tilespmem:v2+s20+$0x0], $0xffff  }
0x15d: {  	v3 =	vadd.s32 s13, v0;
	_ =	sdelay $0x2  }
0x15e: {  	s0 =	simm.s32 $0xC690  }
0x15f: {  	[tilespmem:s0+$0xFFFFFFF0] =	vst v2  }
0x160: {  	s1 =	simm.s32 $0x20;
	v2 =	vld.idx.msk [tilespmem:v3+s20+$0x0], $0xffff  }
0x161: {  	v3 =	vadd.s32 s1, v0;
	_ =	sdelay $0x3  }
0x162: {  	[tilespmem:s0+$0x0] =	vst v2  }
0x163: {  	s14 =	simm.s32 $0x30;
	v2 =	vld.idx.msk [tilespmem:v3+s20+$0x0], $0xffff  }
0x164: {  	v3 =	vadd.s32 s14, v0;
	_ =	sdelay $0x3  }
0x165: {  	s9 =	simm.s32 $0x0;
	[tilespmem:s0+$0x10] =	vst v2  }
0x166: {  	s6 =	simm.s32 $0x32;
	v2 =	vld.idx.msk [tilespmem:v3+s20+$0x0], $0x3;
	v3 =	vor.u32 s9, v1  }
0x167: {  	v4 =	vadd.s32 s6, v0;
	s1 =	simm.s32 $0x1;
	s9 =	simm.s32 $0x2  }
.LBB2_19:
0x168: {  	p1 =	sne.s32 s9, $0x31;
	_ =	sdelay $0x2  }
0x169: {  	[tilespmem:v3+s22+$0x0] =	vst.idx.msk $0x3, v2  }
0x16a: {  	v2 =	vld.idx.msk [tilespmem:v4+s20+$0x0], $0xffff  }
0x16b: {  	s12 =	sadd.s32 $0x10, s6  }
0x16c: {  	v3 =	vadd.s32 s12, v0;
	_ =	sdelay $0x2  }
0x16d: {  	s0 =	sadd.s32 $0x80, s0  }
0x16e: {  	[tilespmem:s0+$0xFFFFFFF0] =	vst v2  }
0x16f: {  	v2 =	vld.idx.msk [tilespmem:v3+s20+$0x0], $0xffff  }
0x170: {  	s12 =	sadd.s32 $0x20, s6  }
0x171: {  	v3 =	vadd.s32 s12, v0;
	_ =	sdelay $0x3  }
0x172: {  	[tilespmem:s0+$0x0] =	vst v2  }
0x173: {  	v2 =	vld.idx.msk [tilespmem:v3+s20+$0x0], $0xffff  }
0x174: {  	s12 =	sadd.s32 $0x30, s6  }
0x175: {  	v3 =	vadd.s32 s12, v0;
	_ =	sdelay $0x2  }
.Ltmp8:
0x176: {  	(pc) =	sbr.rel @p1 .LBB2_19-.Ltmp8, $4  }
0x177: {  	[tilespmem:s0+$0x10] =	vst v2  }
0x178: {  	s12 =	sshll.u32 s1, $0x7;
	s1 =	smov.u32 s9;
	v2 =	vld.idx.msk [tilespmem:v3+s20+$0x0], $0x3  }
0x179: {  	s6 =	sadd.s32 $0x32, s6;
	v3 =	vor.u32 s12, v1  }
0x17a: {  	v4 =	vadd.s32 s6, v0;
	s9 =	sadd.s32 $0x1, s9  }
0x17b: {  	_ =	sdelay $0x3  }
0x17c: {  	[tilespmem:v3+s22+$0x0] =	vst.idx.msk $0x3, v2  }
0x17d: {  	s9 =	sadd.s32 $0x10, s6;
	v2 =	vld.idx.msk [tilespmem:v4+s20+$0x0], $0xffff  }
0x17e: {  	v3 =	vadd.s32 s9, v0;
	_ =	sdelay $0x2  }
0x17f: {  	s0 =	sadd.s32 $0x80, s0  }
0x180: {  	[tilespmem:s0+$0xFFFFFFF0] =	vst v2  }
0x181: {  	s13 =	sadd.s32 $0x20, s6;
	v2 =	vld.idx.msk [tilespmem:v3+s20+$0x0], $0xffff  }
0x182: {  	v3 =	vadd.s32 s13, v0;
	_ =	sdelay $0x3  }
0x183: {  	[tilespmem:s0+$0x0] =	vst v2  }
0x184: {  	s14 =	sadd.s32 $0x30, s6;
	v2 =	vld.idx.msk [tilespmem:v3+s20+$0x0], $0xffff  }
0x185: {  	v3 =	vadd.s32 s14, v0;
	_ =	sdelay $0x3  }
0x186: {  	s9 =	sshll.u32 s1, $0x7;
	[tilespmem:s0+$0x10] =	vst v2  }
0x187: {  	v2 =	vld.idx.msk [tilespmem:v3+s20+$0x0], $0x3;
	v3 =	vor.u32 s9, v1  }
0x188: {  	s12 =	sshll.u32 s31, $0x2  }
0x189: {  	s0 =	sadd.s32 s8, s12  }
0x18a: {  	s13 =	smul.u32 $0x380, s0  }
0x18b: {  	s14 =	simm.s32 $0x9C4  }
0x18c: {  	s1 =	simm.s32 $0x0;
	s31 =	sadd.s32 s7, s13;
	[tilespmem:v3+s22+$0x0] =	vst.idx.msk $0x3, v2;
	v2 =	vadd.s32 s14, v0  }
0x18d: {  	[hbm4b:s31+s1] =	stream.linear.scatter [tilespmem:s22], [sflag:$0x4], $0x1900, $0x38;
	[tilespmem:$0x1F2A8] =	vst v63  }
0x18e: {  	_ =	swait.ge [sflag:s25], $0x1900  }
0x18f: {  	[sflag:s25] =	ssyncset.done $0x0  }
0x190: {  	[sflag:s25] =	ssyncadd.s32 $0xFFFFE700  }
0x191: {  	s9 =	simm.s32 $0x9D4;
	v2 =	vld.idx.msk [tilespmem:v2+s20+$0x0], $0xffff  }
0x192: {  	v3 =	vadd.s32 s9, v0;
	_ =	sdelay $0x2  }
0x193: {  	s14 =	simm.s32 $0xE290  }
0x194: {  	[tilespmem:s14+$0xFFFFFFF0] =	vst v2  }
0x195: {  	s12 =	simm.s32 $0x9E4;
	v2 =	vld.idx.msk [tilespmem:v3+s20+$0x0], $0xffff  }
0x196: {  	v3 =	vadd.s32 s12, v0;
	_ =	sdelay $0x3  }
0x197: {  	[tilespmem:s14+$0x0] =	vst v2  }
0x198: {  	s13 =	simm.s32 $0x9F4;
	v2 =	vld.idx.msk [tilespmem:v3+s20+$0x0], $0xffff  }
0x199: {  	v3 =	vadd.s32 s13, v0;
	_ =	sdelay $0x3  }
0x19a: {  	s31 =	simm.s32 $0x0;
	[tilespmem:s14+$0x10] =	vst v2  }
0x19b: {  	s6 =	simm.s32 $0x9F6;
	v2 =	vld.idx.msk [tilespmem:v3+s20+$0x0], $0x3;
	v3 =	vor.u32 s31, v1  }
0x19c: {  	v4 =	vadd.s32 s6, v0;
	s9 =	simm.s32 $0xA28  }
.LBB2_21:
0x19d: {  	p1 =	sne.s32 s9, $0x1356;
	_ =	sdelay $0x2  }
0x19e: {  	[tilespmem:v3+s23+$0x0] =	vst.idx.msk $0x3, v2  }
0x19f: {  	v2 =	vld.idx.msk [tilespmem:v4+s20+$0x0], $0xffff  }
0x1a0: {  	s12 =	sadd.s32 $0x10, s6  }
0x1a1: {  	v3 =	vadd.s32 s12, v0;
	_ =	sdelay $0x2  }
0x1a2: {  	s14 =	sadd.s32 $0x80, s14  }
0x1a3: {  	[tilespmem:s14+$0xFFFFFFF0] =	vst v2  }
0x1a4: {  	v2 =	vld.idx.msk [tilespmem:v3+s20+$0x0], $0xffff  }
0x1a5: {  	s12 =	sadd.s32 $0x20, s6  }
0x1a6: {  	v3 =	vadd.s32 s12, v0;
	_ =	sdelay $0x3  }
0x1a7: {  	[tilespmem:s14+$0x0] =	vst v2  }
0x1a8: {  	v2 =	vld.idx.msk [tilespmem:v3+s20+$0x0], $0xffff  }
0x1a9: {  	s12 =	sadd.s32 $0x30, s6;
	s6 =	smov.u32 s9  }
0x1aa: {  	v3 =	vadd.s32 s12, v0;
	_ =	sdelay $0x2  }
.Ltmp9:
0x1ab: {  	(pc) =	sbr.rel @p1 .LBB2_21-.Ltmp9, $4  }
0x1ac: {  	s1 =	sadd.s32 $0x1, s1;
	[tilespmem:s14+$0x10] =	vst v2  }
0x1ad: {  	s12 =	sshll.u32 s1, $0x7;
	v2 =	vld.idx.msk [tilespmem:v3+s20+$0x0], $0x3  }
0x1ae: {  	v3 =	vor.u32 s12, v1  }
0x1af: {  	s9 =	sadd.s32 $0x32, s9;
	v4 =	vadd.s32 s6, v0  }
0x1b0: {  	_ =	sdelay $0x3  }
0x1b1: {  	[tilespmem:v3+s23+$0x0] =	vst.idx.msk $0x3, v2  }
0x1b2: {  	s9 =	sadd.s32 $0x10, s6;
	v2 =	vld.idx.msk [tilespmem:v4+s20+$0x0], $0xffff  }
0x1b3: {  	v3 =	vadd.s32 s9, v0;
	_ =	sdelay $0x2  }
0x1b4: {  	s31 =	sadd.s32 $0x80, s14  }
0x1b5: {  	[tilespmem:s31+$0xFFFFFFF0] =	vst v2  }
0x1b6: {  	s12 =	sadd.s32 $0x20, s6;
	v2 =	vld.idx.msk [tilespmem:v3+s20+$0x0], $0xffff  }
0x1b7: {  	v3 =	vadd.s32 s12, v0;
	_ =	sdelay $0x3  }
0x1b8: {  	[tilespmem:s31+$0x0] =	vst v2  }
0x1b9: {  	s13 =	sadd.s32 $0x30, s6;
	v2 =	vld.idx.msk [tilespmem:v3+s20+$0x0], $0xffff  }
0x1ba: {  	v3 =	vadd.s32 s13, v0;
	_ =	sdelay $0x2  }
0x1bb: {  	s1 =	sadd.s32 $0x1, s1  }
0x1bc: {  	s1 =	sshll.u32 s1, $0x7;
	[tilespmem:s31+$0x10] =	vst v2  }
0x1bd: {  	v2 =	vld.idx.msk [tilespmem:v3+s20+$0x0], $0x3;
	v3 =	vor.u32 s1, v1  }
0x1be: {  	s0 =	smul.u32 $0x1C00, s0;
	_ =	sdelay $0x1  }
0x1bf: {  	s0 =	sshrl.u32 s0, $0x3  }
0x1c0: {  	s14 =	simm.s32 $0x1388;
	s0 =	sadd.s32 s7, s0  }
0x1c1: {  	s31 =	sadd.s32 $0x380, s0;
	s1 =	simm.s32 $0x0;
	[tilespmem:v3+s23+$0x0] =	vst.idx.msk $0x3, v2;
	v2 =	vadd.s32 s14, v0  }
0x1c2: {  	[hbm4b:s31+s1] =	stream.linear.scatter [tilespmem:s23], [sflag:$0x5], $0x1900, $0x38;
	[tilespmem:$0x1F2A8] =	vst v63  }
0x1c3: {  	_ =	swait.ge [sflag:s24], $0x1900  }
0x1c4: {  	[sflag:s24] =	ssyncset.done $0x0  }
0x1c5: {  	[sflag:s24] =	ssyncadd.s32 $0xFFFFE700  }
0x1c6: {  	s9 =	simm.s32 $0x1398;
	v2 =	vld.idx.msk [tilespmem:v2+s20+$0x0], $0xffff  }
0x1c7: {  	v3 =	vadd.s32 s9, v0;
	_ =	sdelay $0x2  }
0x1c8: {  	s14 =	simm.s32 $0xC690  }
0x1c9: {  	[tilespmem:s14+$0xFFFFFFF0] =	vst v2  }
0x1ca: {  	s12 =	simm.s32 $0x13A8;
	v2 =	vld.idx.msk [tilespmem:v3+s20+$0x0], $0xffff  }
0x1cb: {  	v3 =	vadd.s32 s12, v0;
	_ =	sdelay $0x3  }
0x1cc: {  	[tilespmem:s14+$0x0] =	vst v2  }
0x1cd: {  	s13 =	simm.s32 $0x13B8;
	v2 =	vld.idx.msk [tilespmem:v3+s20+$0x0], $0xffff  }
0x1ce: {  	v3 =	vadd.s32 s13, v0;
	_ =	sdelay $0x3  }
0x1cf: {  	s31 =	simm.s32 $0x0;
	[tilespmem:s14+$0x10] =	vst v2  }
0x1d0: {  	s6 =	simm.s32 $0x13BA;
	v2 =	vld.idx.msk [tilespmem:v3+s20+$0x0], $0x3;
	v3 =	vor.u32 s31, v1  }
0x1d1: {  	v4 =	vadd.s32 s6, v0;
	s9 =	simm.s32 $0x13EC  }
.LBB2_23:
0x1d2: {  	p1 =	sne.s32 s9, $0x1D1A;
	_ =	sdelay $0x2  }
0x1d3: {  	[tilespmem:v3+s22+$0x0] =	vst.idx.msk $0x3, v2  }
0x1d4: {  	v2 =	vld.idx.msk [tilespmem:v4+s20+$0x0], $0xffff  }
0x1d5: {  	s12 =	sadd.s32 $0x10, s6  }
0x1d6: {  	v3 =	vadd.s32 s12, v0;
	_ =	sdelay $0x2  }
0x1d7: {  	s14 =	sadd.s32 $0x80, s14  }
0x1d8: {  	[tilespmem:s14+$0xFFFFFFF0] =	vst v2  }
0x1d9: {  	v2 =	vld.idx.msk [tilespmem:v3+s20+$0x0], $0xffff  }
0x1da: {  	s12 =	sadd.s32 $0x20, s6  }
0x1db: {  	v3 =	vadd.s32 s12, v0;
	_ =	sdelay $0x3  }
0x1dc: {  	[tilespmem:s14+$0x0] =	vst v2  }
0x1dd: {  	v2 =	vld.idx.msk [tilespmem:v3+s20+$0x0], $0xffff  }
0x1de: {  	s12 =	sadd.s32 $0x30, s6;
	s6 =	smov.u32 s9  }
0x1df: {  	v3 =	vadd.s32 s12, v0;
	_ =	sdelay $0x2  }
.Ltmp10:
0x1e0: {  	(pc) =	sbr.rel @p1 .LBB2_23-.Ltmp10, $4  }
0x1e1: {  	s1 =	sadd.s32 $0x1, s1;
	[tilespmem:s14+$0x10] =	vst v2  }
0x1e2: {  	s12 =	sshll.u32 s1, $0x7;
	v2 =	vld.idx.msk [tilespmem:v3+s20+$0x0], $0x3  }
0x1e3: {  	v3 =	vor.u32 s12, v1  }
0x1e4: {  	s9 =	sadd.s32 $0x32, s9;
	v4 =	vadd.s32 s6, v0  }
0x1e5: {  	_ =	sdelay $0x3  }
0x1e6: {  	[tilespmem:v3+s22+$0x0] =	vst.idx.msk $0x3, v2  }
0x1e7: {  	s9 =	sadd.s32 $0x10, s6;
	v2 =	vld.idx.msk [tilespmem:v4+s20+$0x0], $0xffff  }
0x1e8: {  	v3 =	vadd.s32 s9, v0;
	_ =	sdelay $0x2  }
0x1e9: {  	s31 =	sadd.s32 $0x80, s14  }
0x1ea: {  	[tilespmem:s31+$0xFFFFFFF0] =	vst v2  }
0x1eb: {  	s12 =	sadd.s32 $0x20, s6;
	v2 =	vld.idx.msk [tilespmem:v3+s20+$0x0], $0xffff  }
0x1ec: {  	v3 =	vadd.s32 s12, v0;
	_ =	sdelay $0x3  }
0x1ed: {  	[tilespmem:s31+$0x0] =	vst v2  }
0x1ee: {  	s13 =	sadd.s32 $0x30, s6;
	v2 =	vld.idx.msk [tilespmem:v3+s20+$0x0], $0xffff  }
0x1ef: {  	v3 =	vadd.s32 s13, v0;
	_ =	sdelay $0x2  }
0x1f0: {  	s1 =	sadd.s32 $0x1, s1  }
0x1f1: {  	s1 =	sshll.u32 s1, $0x7;
	[tilespmem:s31+$0x10] =	vst v2  }
0x1f2: {  	v2 =	vld.idx.msk [tilespmem:v3+s20+$0x0], $0x3;
	v3 =	vor.u32 s1, v1;
	_ =	sdelay $0x3  }
0x1f3: {  	s14 =	simm.s32 $0x1D4C  }
0x1f4: {  	s31 =	sadd.s32 $0x700, s0;
	s1 =	simm.s32 $0x0;
	[tilespmem:v3+s22+$0x0] =	vst.idx.msk $0x3, v2;
	v2 =	vadd.s32 s14, v0  }
0x1f5: {  	[hbm4b:s31+s1] =	stream.linear.scatter [tilespmem:s22], [sflag:$0x4], $0x1900, $0x38;
	[tilespmem:$0x1F2A8] =	vst v63  }
0x1f6: {  	_ =	swait.ge [sflag:s25], $0x1900  }
0x1f7: {  	[sflag:s25] =	ssyncset.done $0x0  }
0x1f8: {  	[sflag:s25] =	ssyncadd.s32 $0xFFFFE700  }
0x1f9: {  	s9 =	simm.s32 $0x1D5C;
	v2 =	vld.idx.msk [tilespmem:v2+s20+$0x0], $0xffff  }
0x1fa: {  	v3 =	vadd.s32 s9, v0;
	_ =	sdelay $0x2  }
0x1fb: {  	s14 =	simm.s32 $0xE290  }
0x1fc: {  	[tilespmem:s14+$0xFFFFFFF0] =	vst v2  }
0x1fd: {  	s12 =	simm.s32 $0x1D6C;
	v2 =	vld.idx.msk [tilespmem:v3+s20+$0x0], $0xffff  }
0x1fe: {  	v3 =	vadd.s32 s12, v0;
	_ =	sdelay $0x3  }
0x1ff: {  	[tilespmem:s14+$0x0] =	vst v2  }
0x200: {  	s13 =	simm.s32 $0x1D7C;
	v2 =	vld.idx.msk [tilespmem:v3+s20+$0x0], $0xffff  }
0x201: {  	v3 =	vadd.s32 s13, v0;
	_ =	sdelay $0x3  }
0x202: {  	s31 =	simm.s32 $0x0;
	[tilespmem:s14+$0x10] =	vst v2  }
0x203: {  	s6 =	simm.s32 $0x1D7E;
	v2 =	vld.idx.msk [tilespmem:v3+s20+$0x0], $0x3;
	v3 =	vor.u32 s31, v1  }
0x204: {  	v4 =	vadd.s32 s6, v0;
	s9 =	simm.s32 $0x1DB0  }
.LBB2_25:
0x205: {  	p1 =	sne.s32 s9, $0x26DE;
	_ =	sdelay $0x2  }
0x206: {  	[tilespmem:v3+s23+$0x0] =	vst.idx.msk $0x3, v2  }
0x207: {  	v2 =	vld.idx.msk [tilespmem:v4+s20+$0x0], $0xffff  }
0x208: {  	s12 =	sadd.s32 $0x10, s6  }
0x209: {  	v3 =	vadd.s32 s12, v0;
	_ =	sdelay $0x2  }
0x20a: {  	s14 =	sadd.s32 $0x80, s14  }
0x20b: {  	[tilespmem:s14+$0xFFFFFFF0] =	vst v2  }
0x20c: {  	v2 =	vld.idx.msk [tilespmem:v3+s20+$0x0], $0xffff  }
0x20d: {  	s12 =	sadd.s32 $0x20, s6  }
0x20e: {  	v3 =	vadd.s32 s12, v0;
	_ =	sdelay $0x3  }
0x20f: {  	[tilespmem:s14+$0x0] =	vst v2  }
0x210: {  	v2 =	vld.idx.msk [tilespmem:v3+s20+$0x0], $0xffff  }
0x211: {  	s12 =	sadd.s32 $0x30, s6;
	s6 =	smov.u32 s9  }
0x212: {  	v3 =	vadd.s32 s12, v0;
	_ =	sdelay $0x2  }
.Ltmp11:
0x213: {  	(pc) =	sbr.rel @p1 .LBB2_25-.Ltmp11, $4  }
0x214: {  	s1 =	sadd.s32 $0x1, s1;
	[tilespmem:s14+$0x10] =	vst v2  }
0x215: {  	s12 =	sshll.u32 s1, $0x7;
	v2 =	vld.idx.msk [tilespmem:v3+s20+$0x0], $0x3  }
0x216: {  	v3 =	vor.u32 s12, v1  }
0x217: {  	s9 =	sadd.s32 $0x32, s9;
	v4 =	vadd.s32 s6, v0  }
0x218: {  	_ =	sdelay $0x3  }
0x219: {  	[tilespmem:v3+s23+$0x0] =	vst.idx.msk $0x3, v2  }
0x21a: {  	s9 =	sadd.s32 $0x10, s6;
	v2 =	vld.idx.msk [tilespmem:v4+s20+$0x0], $0xffff  }
0x21b: {  	v3 =	vadd.s32 s9, v0;
	_ =	sdelay $0x2  }
0x21c: {  	s14 =	sadd.s32 $0x80, s14  }
0x21d: {  	[tilespmem:s14+$0xFFFFFFF0] =	vst v2  }
0x21e: {  	s12 =	sadd.s32 $0x20, s6;
	v2 =	vld.idx.msk [tilespmem:v3+s20+$0x0], $0xffff  }
0x21f: {  	v3 =	vadd.s32 s12, v0;
	_ =	sdelay $0x3  }
0x220: {  	[tilespmem:s14+$0x0] =	vst v2  }
0x221: {  	s31 =	sadd.s32 $0x30, s6;
	v2 =	vld.idx.msk [tilespmem:v3+s20+$0x0], $0xffff  }
0x222: {  	v3 =	vadd.s32 s31, v0;
	_ =	sdelay $0x2  }
0x223: {  	s1 =	sadd.s32 $0x1, s1  }
0x224: {  	s1 =	sshll.u32 s1, $0x7;
	[tilespmem:s14+$0x10] =	vst v2  }
0x225: {  	s30 =	sadd.s32 $0x1, s30;
	v2 =	vld.idx.msk [tilespmem:v3+s20+$0x0], $0x3;
	v3 =	vor.u32 s1, v1  }
0x226: {  	p1 =	sne.s32 s30, $0x40  }
.Ltmp12:
0x227: {  	_ = 	snop;
	(pc) =	sbr.rel @p1 .LBB2_4-.Ltmp12, $3  }
0x228: {  	_ =	sdelay $0x1  }
0x229: {  	s0 =	sadd.s32 $0xA80, s0;
	[tilespmem:v3+s23+$0x0] =	vst.idx.msk $0x3, v2  }
0x22a: {  	[hbm4b:s0+s3] =	stream.linear.scatter [tilespmem:s23], [sflag:$0x5], $0x1900, $0x38;
	[tilespmem:$0x1F2A8] =	vst v63  }
0x22b: {  	_ =	swait.ge [sflag:s24], $0x1900  }
0x22c: {  	[sflag:s24] =	ssyncset.done $0x0  }
0x22d: {  	[sflag:s24] =	ssyncadd.s32 $0xFFFFE700  }
0x22e: {  	_ =	swait.ge [sflag:s25], $0x1900  }
0x22f: {  	s28 =	sadd.s32 $0x1, s28;
	s0 =	rddreg [dreg:$0x6]  }
0x230: {  	p1 =	sne.s32 s28, s0  }
.Ltmp13:
0x231: {  	_ = 	snop;
	(pc) =	sbr.rel @p1 .LBB2_1-.Ltmp13, $3  }
0x232: {  	_ =	sdelay $0x1  }
0x233: {  	[sflag:s25] =	ssyncset.done $0x0  }
0x234: {  	[sflag:s25] =	ssyncadd.s32 $0xFFFFE700  }
0x235: {  	_ =	sfence.sel $0x180000  }
0x236: {  	[bflag:$0x0] =	sbarrier.arrive $0xFFFF  }
0x237: {  	_ =	strace $0x90000047  }
0x238: {  	[bflag:$0x2] =	sbarrier.arrive $0xFFFF  }
0x239: {  	s0 =	rddreg [dreg:$0x3]  }
0x23a: {  	s0 =	sadd.s32 @!p0 $0x100000, s0  }
0x23b: {  	[sflag:s0] =	ssyncadd.tile.s32 @!p0 $0x1;
	_ =	shalt  }
.Lfunc_end2:
_tile_overlayer_lowered:
.L_overlay_start_2:
0x23c: {  	(tag) =	ssettag $0x2  }
0x23d: {  	s0 =	rddreg [dreg:$0x0];
	s2 =	stileid.u32  }
0x23e: {  	s1 =	rddreg [dreg:$0x1];
	p0 =	sne.s32 s2, $0x0  }
0x23f: {  	s3 =	rddreg [dreg:$0x2];
	[bflag:$0x3] =	sbarrier.arrive $0xFFFF;
	s2 =	simm.s32 @!p0 $0x1C06  }
0x240: {  	[timem:s3], [sflag:s2] =	dma.local @!p0 [hbm:s0], s1  }
0x241: {  	s0 =	simm.s32 @!p0 $0x6  }
0x242: {  	_ =	swait.ge @!p0 [sflag:s0], s1  }
0x243: {  	s1 =	ssub.s32 @!p0 $0x0, s1;
	[sflag:s0] =	ssyncset.done @!p0 $0x0  }
0x244: {  	[sflag:s0] =	ssyncadd.s32 @!p0 s1  }
0x245: {  	[bflag:$0x3] =	sbarrier.arrive $0xFFFF  }
0x246: {  	_ =	shalt  }

</sc_bundles>
